<compile_context>
chip_gen: v7x
topology: tpu7x:2x2x1
jax: 0.10.2.dev20260603
libtpu: 0.0.44.dev20260713+nightly
codegen_flags: <defaults>
</compile_context>

<pallas_src>
import functools

import jax
import jax.numpy as jnp
from jax import lax
from jax.experimental import pallas as pl
from jax.experimental.pallas import tpu as pltpu
from jax.experimental.pallas import tpu_sc as plsc


def _sc_gather_t(tab_t, xs_t):
    f_dim, e_dim, v_dim = tab_t.shape
    b_dim = xs_t.shape[1]
    info = plsc.get_sparse_core_info()
    nc, ns = info.num_cores, info.num_subcores
    nw = nc * ns
    rows_total = f_dim * e_dim
    rpw = rows_total // nw
    ic = 4096
    n_ic = b_dim // ic
    assert rows_total % nw == 0 and b_dim % ic == 0

    mesh = plsc.VectorSubcoreMesh(core_axis_name="c", subcore_axis_name="s")

    @functools.partial(
        pl.kernel,
        mesh=mesh,
        out_type=jax.ShapeDtypeStruct((f_dim, e_dim, b_dim), jnp.float32),
        compiler_params=pltpu.CompilerParams(needs_layout_passes=False),
        scratch_types=[
            pltpu.VMEM((v_dim,), jnp.float32),
            pltpu.VMEM((b_dim,), jnp.int32),
            pltpu.VMEM((ic,), jnp.float32),
            pltpu.VMEM((ic,), jnp.float32),
            pltpu.SemaphoreType.DMA,
            pltpu.SemaphoreType.DMA,
            pltpu.SemaphoreType.DMA,
        ],
    )
    def gk(tab_hbm, idx_hbm, out_hbm, rowbuf, idxbuf, ob0, ob1, semr, so0, so1):
        wid = lax.axis_index("s") * nc + lax.axis_index("c")
        obufs, osems = (ob0, ob1), (so0, so1)

        def row_body(r, f_last):
            g = wid * rpw + r
            f = g // e_dim
            e = g % e_dim

            @pl.when(f != f_last)
            def _():
                pltpu.sync_copy(idx_hbm.at[f, :], idxbuf)

            pltpu.async_copy(tab_hbm.at[f, e, :], rowbuf, semr).wait()
            for c in range(n_ic):
                ob, osem = obufs[c % 2], osems[c % 2]

                def drain(ob=ob, osem=osem):
                    pltpu.make_async_copy(
                        out_hbm.at[f, e, pl.ds(c * ic, ic)], ob, osem).wait()
                if c >= 2:
                    drain()
                else:
                    pl.when(r >= 1)(drain)

                @plsc.parallel_loop(0, ic // 16, unroll=8)
                def _(i):
                    iv = idxbuf[pl.ds(c * ic + i * 16, 16)]
                    ob[pl.ds(i * 16, 16)] = plsc.load_gather(rowbuf, [iv])

                pltpu.async_copy(ob, out_hbm.at[f, e, pl.ds(c * ic, ic)],
                                 osem)
            return f

        f_fin = lax.fori_loop(0, rpw, row_body, jnp.int32(-1))
        g = wid * rpw + rpw - 1
        f, e = g // e_dim, g % e_dim
        for c in (n_ic - 2, n_ic - 1):
            pltpu.make_async_copy(
                out_hbm.at[f, e, pl.ds(c * ic, ic)],
                obufs[c % 2], osems[c % 2]).wait()
        del f_fin

    return gk(tab_t, xs_t)


def _mlp_body(e_ref, d_ref, w1a, w1b, b1, w2, b2, w3, b3, wo, bo, o_ref):
    ct0 = (((0,), (0,)), ((), ()))
    x = lax.dot_general(e_ref[...].astype(jnp.bfloat16), w1a[...], ct0,
                        preferred_element_type=jnp.float32)
    x = x + lax.dot_general(d_ref[...], w1b[...], ct0,
                            preferred_element_type=jnp.float32)
    h = jnp.maximum(x + b1[...], 0.0)
    h = jnp.maximum(jnp.dot(h, w2[...], preferred_element_type=jnp.float32)
                    + b2[...], 0.0)
    h = jnp.maximum(jnp.dot(h, w3[...], preferred_element_type=jnp.float32)
                    + b3[...], 0.0)
    o = lax.dot_general(wo[...], h, (((0,), (1,)), ((), ())),
                        preferred_element_type=jnp.float32)
    o_ref[...] = jax.nn.sigmoid(o + bo[...])


def _mlp(emb_t2, xd_t, w1a, w1b, b1, w2, b2, w3, b3, wout, bout,
         interpret=False):
    de, b = emb_t2.shape
    dd = xd_t.shape[0]
    tb = 2048
    h1, h2, h3 = w2.shape[0], w3.shape[0], wout.shape[0]
    full = lambda shape: pl.BlockSpec(shape, lambda i: tuple(0 for _ in shape))
    return pl.pallas_call(
        _mlp_body,
        grid=(b // tb,),
        in_specs=[
            pl.BlockSpec((de, tb), lambda i: (0, i)),
            pl.BlockSpec((dd, tb), lambda i: (0, i)),
            full((de, h1)), full((dd, h1)), full((1, h1)),
            full((h1, h2)), full((1, h2)),
            full((h2, h3)), full((1, h3)),
            full((h3, 1)), full((1, 1)),
        ],
        out_specs=pl.BlockSpec((1, tb), lambda i: (0, i)),
        out_shape=jax.ShapeDtypeStruct((1, b), jnp.float32),
        interpret=interpret,
    )(emb_t2, xd_t, w1a, w1b, b1.reshape(1, -1), w2, b2.reshape(1, -1),
      w3, b3.reshape(1, -1), wout, bout.reshape(1, 1))


def kernel(X_sparse, X_dense, tables, W1, b1, W2, b2, W3, b3, Wout, bout):
    b, f = X_sparse.shape
    v, e = tables.shape[1], tables.shape[2]
    tab_t = tables.transpose(0, 2, 1)
    xs_t = X_sparse.T
    emb_t = _sc_gather_t(tab_t, xs_t)
    emb_t2 = emb_t.reshape(f * e, b)
    w1a = W1[: f * e].astype(jnp.bfloat16)
    w1b = W1[f * e:]
    out = _mlp(emb_t2, X_dense.T, w1a, w1b, b1, W2, b2, W3, b3, Wout, bout)
    return out.T

# --- scband reference (transcript-rebuilt; emitter-appended) ---
"""Pipeline reference for scband-network-28037546508426 (READ-ONLY COPY).

The authoritative reference and input builder live on the scoring server;
editing this copy changes nothing except your own understanding.
"""

import jax, jax.numpy as jnp
import numpy as np

B = 16384
F_SPARSE = 26
VOCAB = 100000
EMB = 32
DENSE = 13
HIDDEN = [512, 256, 128]

def setup_inputs(seed: int = 0) -> dict:
    key = jax.random.key(seed)
    ks = jax.random.split(key, 12)
    X_sparse = jax.random.randint(ks[0], (B, F_SPARSE), 0, VOCAB, dtype=jnp.int64 if jax.config.jax_enable_x64 else jnp.int32).astype(jnp.int32)
    X_dense = jax.random.normal(ks[1], (B, DENSE), dtype=jnp.float32)
    tables = jax.random.normal(ks[2], (F_SPARSE, VOCAB, EMB), dtype=jnp.float32) * 0.02
    d_in = EMB * F_SPARSE + DENSE
    W1 = jax.random.normal(ks[3], (d_in, HIDDEN[0]), dtype=jnp.float32) * (1.0 / np.sqrt(d_in))
    b1 = jnp.zeros((HIDDEN[0],), dtype=jnp.float32)
    W2 = jax.random.normal(ks[4], (HIDDEN[0], HIDDEN[1]), dtype=jnp.float32) * (1.0 / np.sqrt(HIDDEN[0]))
    b2 = jnp.zeros((HIDDEN[1],), dtype=jnp.float32)
    W3 = jax.random.normal(ks[5], (HIDDEN[1], HIDDEN[2]), dtype=jnp.float32) * (1.0 / np.sqrt(HIDDEN[1]))
    b3 = jnp.zeros((HIDDEN[2],), dtype=jnp.float32)
    Wout = jax.random.normal(ks[6], (HIDDEN[2], 1), dtype=jnp.float32) * (1.0 / np.sqrt(HIDDEN[2]))
    bout = jnp.zeros((1,), dtype=jnp.float32)
    return {"X_sparse": X_sparse, "X_dense": X_dense, "tables": tables,
            "W1": W1, "b1": b1, "W2": W2, "b2": b2, "W3": W3, "b3": b3,
            "Wout": Wout, "bout": bout}

def reference(X_sparse, X_dense, tables, W1, b1, W2, b2, W3, b3, Wout, bout):
    # per-field embedding lookup: tables[f][X_sparse[:, f]] for each field f
    emb = jax.vmap(lambda t, idx: jnp.take(t, idx, axis=0), in_axes=(0, 1), out_axes=1)(tables, X_sparse)
    embedding_2D = emb.reshape(emb.shape[0], -1)  # [B, F_SPARSE*EMB]
    X_fc = jnp.concatenate([embedding_2D, X_dense], axis=1)
    X_fc = jax.nn.relu(X_fc @ W1 + b1)
    X_fc = jax.nn.relu(X_fc @ W2 + b2)
    X_fc = jax.nn.relu(X_fc @ W3 + b3)
    dnn_output = X_fc @ Wout + bout
    return jax.nn.sigmoid(dnn_output)

if __name__ == "__main__":
    import jax
    _d = setup_inputs()
    print(jax.jit(kernel)(*tuple(_d.values())))

</pallas_src>

<mosaic_0001>
#map = affine_map<(d0, d1) -> (0, 0, 0)>
#map1 = affine_map<(d0, d1) -> (0, 0)>
module attributes {stable_mosaic.version = 14 : i64} {
  func.func @gk(%arg0: i32, %arg1: i32, %arg2: memref<26x32x100000xf32, #tpu.memory_space<hbm>>, %arg3: memref<26x16384xi32, #tpu.memory_space<hbm>>, %arg4: memref<26x32x16384xf32, #tpu.memory_space<hbm>>, %arg5: memref<100000xf32, #tpu.memory_space<vmem>>, %arg6: memref<16384xi32, #tpu.memory_space<vmem>>, %arg7: memref<4096xf32, #tpu.memory_space<vmem>>, %arg8: memref<4096xf32, #tpu.memory_space<vmem>>, %arg9: memref<!tpu.dma_semaphore, #tpu.memory_space<semaphore_mem>>, %arg10: memref<!tpu.dma_semaphore, #tpu.memory_space<semaphore_mem>>, %arg11: memref<!tpu.dma_semaphore, #tpu.memory_space<semaphore_mem>>) attributes {dimension_semantics = [#tpu.dimension_semantics<core_parallel>, #tpu.dimension_semantics<subcore_parallel>], iteration_bounds = array<i64: 2, 16>, scalar_prefetch = 0 : i64, scratch_operands = 7 : i64, tpu.core_type = #tpu.core_type<sc_vector_subcore>, window_params = [{transform_indices = #map}, {transform_indices = #map1}, {transform_indices = #map}]} {
    %mul3A = arith.constant 2 : i32
    %mul3A_0 = arith.muli %arg1, %mul3A : i32
    %add3A = arith.addi %mul3A_0, %arg0 : i32
    %scan3A = arith.constant -1 : i32
    %scan3A_1 = arith.constant 0 : i32
    %scan3A_2 = arith.constant 26 : i32
    %scan3A_3 = arith.addi %scan3A_1, %scan3A_2 : i32
    %scan3A_4 = arith.constant 1 : i32
    %scan3A_5 = scf.for %scan3A_54 = %scan3A_1 to %scan3A_3 step %scan3A_4 iter_args(%scan3A_55 = %scan3A) -> (i32)  : i32 {
      %mul3A_56 = arith.constant 26 : i32
      %mul3A_57 = arith.muli %add3A, %mul3A_56 : i32
      %add3A_58 = arith.addi %mul3A_57, %scan3A_54 : i32
      %jit3A_59 = arith.constant 32 : i32
      %div3A_60 = arith.divsi %add3A_58, %jit3A_59 : i32
      %sign3A_61 = arith.constant 0 : i32
      %sign3A_62 = arith.cmpi sgt, %add3A_58, %sign3A_61 : i32
      %sign3A_63 = arith.extui %sign3A_62 : i1 to i32
      %sign3A_64 = arith.constant 0 : i32
      %sign3A_65 = arith.cmpi slt, %add3A_58, %sign3A_64 : i32
      %sign3A_66 = arith.extui %sign3A_65 : i1 to i32
      %sign3A_67 = arith.subi %sign3A_63, %sign3A_66 : i32
      %sign3A_68 = arith.constant 0 : i32
      %sign3A_69 = arith.cmpi sgt, %jit3A_59, %sign3A_68 : i32
      %sign3A_70 = arith.extui %sign3A_69 : i1 to i32
      %sign3A_71 = arith.constant 0 : i32
      %sign3A_72 = arith.cmpi slt, %jit3A_59, %sign3A_71 : i32
      %sign3A_73 = arith.extui %sign3A_72 : i1 to i32
      %sign3A_74 = arith.subi %sign3A_70, %sign3A_73 : i32
      %ne3A_75 = arith.cmpi ne, %sign3A_67, %sign3A_74 : i32
      %rem3A_76 = arith.remsi %add3A_58, %jit3A_59 : i32
      %ne3A_77 = arith.constant 0 : i32
      %ne3A_78 = arith.cmpi ne, %rem3A_76, %ne3A_77 : i32
      %and3A_79 = arith.andi %ne3A_75, %ne3A_78 : i1
      %sub3A_80 = arith.constant 1 : i32
      %sub3A_81 = arith.subi %div3A_60, %sub3A_80 : i32
      %select_n3A_82 = arith.select %and3A_79, %sub3A_81, %div3A_60 : i32
      %jit3A_83 = arith.constant 32 : i32
      %eq3A_84 = arith.constant 0 : i32
      %eq3A_85 = arith.cmpi eq, %jit3A_83, %eq3A_84 : i32
      %jit3A_86 = arith.constant 1 : i32
      %select_n3A_87 = arith.select %eq3A_85, %jit3A_86, %jit3A_83 : i32
      %rem3A_88 = arith.remsi %add3A_58, %select_n3A_87 : i32
      %ne3A_89 = arith.constant 0 : i32
      %ne3A_90 = arith.cmpi ne, %rem3A_88, %ne3A_89 : i32
      %lt3A_91 = arith.constant 0 : i32
      %lt3A_92 = arith.cmpi slt, %rem3A_88, %lt3A_91 : i32
      %lt3A_93 = arith.constant 0 : i32
      %lt3A_94 = arith.cmpi slt, %select_n3A_87, %lt3A_93 : i32
      %ne3A_95 = arith.xori %lt3A_92, %lt3A_94 : i1
      %and3A_96 = arith.andi %ne3A_95, %ne3A_90 : i1
      %add3A_97 = arith.addi %rem3A_88, %select_n3A_87 : i32
      %select_n3A_98 = arith.select %and3A_96, %add3A_97, %rem3A_88 : i32
      %ne3A_99 = arith.cmpi ne, %select_n3A_82, %scan3A_55 : i32
      %convert_element_type3A = arith.extui %ne3A_99 : i1 to i32
      %cond3A = arith.constant 0 : i32
      %cond3A_100 = arith.cmpi ne, %convert_element_type3A, %cond3A : i32
      scf.if %cond3A_100 {
        "tpu.region"() ({
          %run_scoped3A = tpu.sem_alloc : memref<!tpu.dma_semaphore, #tpu.memory_space<semaphore_mem>>
          %dma_start3A_168 = arith.constant 0 : i32
          %dma_start3A_169 = tpu.memref_slice %arg3[%select_n3A_82, %dma_start3A_168] : memref<26x16384xi32, #tpu.memory_space<hbm>> -> memref<1x16384xi32, #tpu.memory_space<hbm>>
          %dma_start3A_170 = tpu.memref_squeeze %dma_start3A_169 : memref<1x16384xi32, #tpu.memory_space<hbm>> -> memref<16384xi32, #tpu.memory_space<hbm>>
          %dma_start3A_171 = arith.constant 0 : i32
          %dma_start3A_172 = tpu.memref_slice %arg3[%select_n3A_82, %dma_start3A_171] : memref<26x16384xi32, #tpu.memory_space<hbm>> -> memref<1x16384xi32, #tpu.memory_space<hbm>>
          %dma_start3A_173 = tpu.memref_squeeze %dma_start3A_172 : memref<1x16384xi32, #tpu.memory_space<hbm>> -> memref<16384xi32, #tpu.memory_space<hbm>>
          tpu.enqueue_dma source(%dma_start3A_173 : memref<16384xi32, #tpu.memory_space<hbm>>) target(%arg6 : memref<16384xi32, #tpu.memory_space<vmem>>) target_semaphore(%run_scoped3A : memref<!tpu.dma_semaphore, #tpu.memory_space<semaphore_mem>>)
          %dma_wait3A_174 = arith.constant 0 : i32
          %dma_wait3A_175 = tpu.memref_slice %arg3[%select_n3A_82, %dma_wait3A_174] : memref<26x16384xi32, #tpu.memory_space<hbm>> -> memref<1x16384xi32, #tpu.memory_space<hbm>>
          %dma_wait3A_176 = tpu.memref_squeeze %dma_wait3A_175 : memref<1x16384xi32, #tpu.memory_space<hbm>> -> memref<16384xi32, #tpu.memory_space<hbm>>
          %dma_wait3A_177 = arith.constant 0 : i32
          %dma_wait3A_178 = tpu.memref_slice %arg3[%select_n3A_82, %dma_wait3A_177] : memref<26x16384xi32, #tpu.memory_space<hbm>> -> memref<1x16384xi32, #tpu.memory_space<hbm>>
          %dma_wait3A_179 = tpu.memref_squeeze %dma_wait3A_178 : memref<1x16384xi32, #tpu.memory_space<hbm>> -> memref<16384xi32, #tpu.memory_space<hbm>>
          tpu.wait_dma2 semaphore(%run_scoped3A : memref<!tpu.dma_semaphore, #tpu.memory_space<semaphore_mem>>) src(%dma_wait3A_179 : memref<16384xi32, #tpu.memory_space<hbm>>) dst(%arg6 : memref<16384xi32, #tpu.memory_space<vmem>>)
          tpu.yield
        }) : () -> ()
      } else {
      }
      %dma_start3A = arith.constant 0 : i32
      %dma_start3A_101 = tpu.memref_slice %arg2[%select_n3A_82, %select_n3A_98, %dma_start3A] : memref<26x32x100000xf32, #tpu.memory_space<hbm>> -> memref<1x1x100000xf32, #tpu.memory_space<hbm>>
      %dma_start3A_102 = tpu.memref_squeeze %dma_start3A_101 : memref<1x1x100000xf32, #tpu.memory_space<hbm>> -> memref<100000xf32, #tpu.memory_space<hbm>>
      %dma_start3A_103 = arith.constant 0 : i32
      %dma_start3A_104 = tpu.memref_slice %arg2[%select_n3A_82, %select_n3A_98, %dma_start3A_103] : memref<26x32x100000xf32, #tpu.memory_space<hbm>> -> memref<1x1x100000xf32, #tpu.memory_space<hbm>>
      %dma_start3A_105 = tpu.memref_squeeze %dma_start3A_104 : memref<1x1x100000xf32, #tpu.memory_space<hbm>> -> memref<100000xf32, #tpu.memory_space<hbm>>
      tpu.enqueue_dma source(%dma_start3A_105 : memref<100000xf32, #tpu.memory_space<hbm>>) target(%arg5 : memref<100000xf32, #tpu.memory_space<vmem>>) target_semaphore(%arg9 : memref<!tpu.dma_semaphore, #tpu.memory_space<semaphore_mem>>)
      %dma_wait3A_106 = arith.constant 0 : i32
      %dma_wait3A_107 = tpu.memref_slice %arg2[%select_n3A_82, %select_n3A_98, %dma_wait3A_106] : memref<26x32x100000xf32, #tpu.memory_space<hbm>> -> memref<1x1x100000xf32, #tpu.memory_space<hbm>>
      %dma_wait3A_108 = tpu.memref_squeeze %dma_wait3A_107 : memref<1x1x100000xf32, #tpu.memory_space<hbm>> -> memref<100000xf32, #tpu.memory_space<hbm>>
      %dma_wait3A_109 = arith.constant 0 : i32
      %dma_wait3A_110 = tpu.memref_slice %arg2[%select_n3A_82, %select_n3A_98, %dma_wait3A_109] : memref<26x32x100000xf32, #tpu.memory_space<hbm>> -> memref<1x1x100000xf32, #tpu.memory_space<hbm>>
      %dma_wait3A_111 = tpu.memref_squeeze %dma_wait3A_110 : memref<1x1x100000xf32, #tpu.memory_space<hbm>> -> memref<100000xf32, #tpu.memory_space<hbm>>
      tpu.wait_dma2 semaphore(%arg9 : memref<!tpu.dma_semaphore, #tpu.memory_space<semaphore_mem>>) src(%dma_wait3A_111 : memref<100000xf32, #tpu.memory_space<hbm>>) dst(%arg5 : memref<100000xf32, #tpu.memory_space<vmem>>)
      %ge3A = arith.constant 1 : i32
      %ge3A_112 = arith.cmpi sge, %scan3A_54, %ge3A : i32
      %convert_element_type3A_113 = arith.extui %ge3A_112 : i1 to i32
      %cond3A_114 = arith.constant 0 : i32
      %cond3A_115 = arith.cmpi ne, %convert_element_type3A_113, %cond3A_114 : i32
      scf.if %cond3A_115 {
        %dma_wait3A_168 = arith.constant 0 : i32
        %dma_wait3A_169 = tpu.memref_slice %arg4[%select_n3A_82, %select_n3A_98, %dma_wait3A_168] : memref<26x32x16384xf32, #tpu.memory_space<hbm>> -> memref<1x1x4096xf32, #tpu.memory_space<hbm>>
        %dma_wait3A_170 = tpu.memref_squeeze %dma_wait3A_169 : memref<1x1x4096xf32, #tpu.memory_space<hbm>> -> memref<4096xf32, #tpu.memory_space<hbm>>
        %dma_wait3A_171 = arith.constant 0 : i32
        %dma_wait3A_172 = tpu.memref_slice %arg4[%select_n3A_82, %select_n3A_98, %dma_wait3A_171] : memref<26x32x16384xf32, #tpu.memory_space<hbm>> -> memref<1x1x4096xf32, #tpu.memory_space<hbm>>
        %dma_wait3A_173 = tpu.memref_squeeze %dma_wait3A_172 : memref<1x1x4096xf32, #tpu.memory_space<hbm>> -> memref<4096xf32, #tpu.memory_space<hbm>>
        tpu.wait_dma2 semaphore(%arg10 : memref<!tpu.dma_semaphore, #tpu.memory_space<semaphore_mem>>) src(%dma_wait3A_173 : memref<4096xf32, #tpu.memory_space<hbm>>) dst(%arg7 : memref<4096xf32, #tpu.memory_space<vmem>>)
      } else {
      }
      %parallel_loop3A = arith.constant 0 : i32
      %parallel_loop3A_116 = arith.constant 256 : i32
      %parallel_loop3A_117 = arith.constant 1 : i32
      scf.for %parallel_loop3A_168 = %parallel_loop3A to %parallel_loop3A_116 step %parallel_loop3A_117  : i32 {
        %parallel_loop3A_169 = arith.constant 16 : i32
        %parallel_loop3A_170 = arith.muli %parallel_loop3A_168, %parallel_loop3A_169 : i32
        %parallel_loop3A_171 = arith.constant 0 : i32
        %parallel_loop3A_172 = arith.addi %parallel_loop3A_171, %parallel_loop3A_170 : i32
        %parallel_loop3A_173 = arith.index_cast %parallel_loop3A_172 : i32 to index
        %parallel_loop3A_174 = tpu.vector_load %arg6[%parallel_loop3A_173] {strides = array<i32>} : memref<16384xi32, #tpu.memory_space<vmem>>, vector<16xi32>,
        %parallel_loop3A_175 = tpu.vector_load_idx %arg5[%parallel_loop3A_174] : memref<100000xf32, #tpu.memory_space<vmem>>[vector<16xi32>], vector<16xf32>,
        %parallel_loop3A_176 = arith.constant 16 : i32
        %parallel_loop3A_177 = arith.muli %parallel_loop3A_168, %parallel_loop3A_176 : i32
        %parallel_loop3A_178 = arith.index_cast %parallel_loop3A_177 : i32 to index
        %parallel_loop3A_179 = tpu.vector_load %arg7[%parallel_loop3A_178] {strides = array<i32>} : memref<4096xf32, #tpu.memory_space<vmem>>, vector<16xf32>,
        tpu.vector_store %arg7[%parallel_loop3A_178], %parallel_loop3A_175 {strides = array<i32>} : memref<4096xf32, #tpu.memory_space<vmem>>, vector<16xf32>,
      } {sc.loop_unroll_factor = 8 : i64, sc.parallel_access}
      %dma_start3A_118 = arith.constant 0 : i32
      %dma_start3A_119 = tpu.memref_slice %arg4[%select_n3A_82, %select_n3A_98, %dma_start3A_118] : memref<26x32x16384xf32, #tpu.memory_space<hbm>> -> memref<1x1x4096xf32, #tpu.memory_space<hbm>>
      %dma_start3A_120 = tpu.memref_squeeze %dma_start3A_119 : memref<1x1x4096xf32, #tpu.memory_space<hbm>> -> memref<4096xf32, #tpu.memory_space<hbm>>
      %dma_start3A_121 = arith.constant 0 : i32
      %dma_start3A_122 = tpu.memref_slice %arg4[%select_n3A_82, %select_n3A_98, %dma_start3A_121] : memref<26x32x16384xf32, #tpu.memory_space<hbm>> -> memref<1x1x4096xf32, #tpu.memory_space<hbm>>
      %dma_start3A_123 = tpu.memref_squeeze %dma_start3A_122 : memref<1x1x4096xf32, #tpu.memory_space<hbm>> -> memref<4096xf32, #tpu.memory_space<hbm>>
      tpu.enqueue_dma source(%arg7 : memref<4096xf32, #tpu.memory_space<vmem>>) target(%dma_start3A_123 : memref<4096xf32, #tpu.memory_space<hbm>>) target_semaphore(%arg10 : memref<!tpu.dma_semaphore, #tpu.memory_space<semaphore_mem>>)
      %ge3A_124 = arith.constant 1 : i32
      %ge3A_125 = arith.cmpi sge, %scan3A_54, %ge3A_124 : i32
      %convert_element_type3A_126 = arith.extui %ge3A_125 : i1 to i32
      %cond3A_127 = arith.constant 0 : i32
      %cond3A_128 = arith.cmpi ne, %convert_element_type3A_126, %cond3A_127 : i32
      scf.if %cond3A_128 {
        %dma_wait3A_168 = arith.constant 4096 : i32
        %dma_wait3A_169 = tpu.memref_slice %arg4[%select_n3A_82, %select_n3A_98, %dma_wait3A_168] : memref<26x32x16384xf32, #tpu.memory_space<hbm>> -> memref<1x1x4096xf32, #tpu.memory_space<hbm>>
        %dma_wait3A_170 = tpu.memref_squeeze %dma_wait3A_169 : memref<1x1x4096xf32, #tpu.memory_space<hbm>> -> memref<4096xf32, #tpu.memory_space<hbm>>
        %dma_wait3A_171 = arith.constant 4096 : i32
        %dma_wait3A_172 = tpu.memref_slice %arg4[%select_n3A_82, %select_n3A_98, %dma_wait3A_171] : memref<26x32x16384xf32, #tpu.memory_space<hbm>> -> memref<1x1x4096xf32, #tpu.memory_space<hbm>>
        %dma_wait3A_173 = tpu.memref_squeeze %dma_wait3A_172 : memref<1x1x4096xf32, #tpu.memory_space<hbm>> -> memref<4096xf32, #tpu.memory_space<hbm>>
        tpu.wait_dma2 semaphore(%arg11 : memref<!tpu.dma_semaphore, #tpu.memory_space<semaphore_mem>>) src(%dma_wait3A_173 : memref<4096xf32, #tpu.memory_space<hbm>>) dst(%arg8 : memref<4096xf32, #tpu.memory_space<vmem>>)
      } else {
      }
      %parallel_loop3A_129 = arith.constant 0 : i32
      %parallel_loop3A_130 = arith.constant 256 : i32
      %parallel_loop3A_131 = arith.constant 1 : i32
      scf.for %parallel_loop3A_168 = %parallel_loop3A_129 to %parallel_loop3A_130 step %parallel_loop3A_131  : i32 {
        %parallel_loop3A_169 = arith.constant 16 : i32
        %parallel_loop3A_170 = arith.muli %parallel_loop3A_168, %parallel_loop3A_169 : i32
        %parallel_loop3A_171 = arith.constant 4096 : i32
        %parallel_loop3A_172 = arith.addi %parallel_loop3A_171, %parallel_loop3A_170 : i32
        %parallel_loop3A_173 = arith.index_cast %parallel_loop3A_172 : i32 to index
        %parallel_loop3A_174 = tpu.vector_load %arg6[%parallel_loop3A_173] {strides = array<i32>} : memref<16384xi32, #tpu.memory_space<vmem>>, vector<16xi32>,
        %parallel_loop3A_175 = tpu.vector_load_idx %arg5[%parallel_loop3A_174] : memref<100000xf32, #tpu.memory_space<vmem>>[vector<16xi32>], vector<16xf32>,
        %parallel_loop3A_176 = arith.constant 16 : i32
        %parallel_loop3A_177 = arith.muli %parallel_loop3A_168, %parallel_loop3A_176 : i32
        %parallel_loop3A_178 = arith.index_cast %parallel_loop3A_177 : i32 to index
        %parallel_loop3A_179 = tpu.vector_load %arg8[%parallel_loop3A_178] {strides = array<i32>} : memref<4096xf32, #tpu.memory_space<vmem>>, vector<16xf32>,
        tpu.vector_store %arg8[%parallel_loop3A_178], %parallel_loop3A_175 {strides = array<i32>} : memref<4096xf32, #tpu.memory_space<vmem>>, vector<16xf32>,
      } {sc.loop_unroll_factor = 8 : i64, sc.parallel_access}
      %dma_start3A_132 = arith.constant 4096 : i32
      %dma_start3A_133 = tpu.memref_slice %arg4[%select_n3A_82, %select_n3A_98, %dma_start3A_132] : memref<26x32x16384xf32, #tpu.memory_space<hbm>> -> memref<1x1x4096xf32, #tpu.memory_space<hbm>>
      %dma_start3A_134 = tpu.memref_squeeze %dma_start3A_133 : memref<1x1x4096xf32, #tpu.memory_space<hbm>> -> memref<4096xf32, #tpu.memory_space<hbm>>
      %dma_start3A_135 = arith.constant 4096 : i32
      %dma_start3A_136 = tpu.memref_slice %arg4[%select_n3A_82, %select_n3A_98, %dma_start3A_135] : memref<26x32x16384xf32, #tpu.memory_space<hbm>> -> memref<1x1x4096xf32, #tpu.memory_space<hbm>>
      %dma_start3A_137 = tpu.memref_squeeze %dma_start3A_136 : memref<1x1x4096xf32, #tpu.memory_space<hbm>> -> memref<4096xf32, #tpu.memory_space<hbm>>
      tpu.enqueue_dma source(%arg8 : memref<4096xf32, #tpu.memory_space<vmem>>) target(%dma_start3A_137 : memref<4096xf32, #tpu.memory_space<hbm>>) target_semaphore(%arg11 : memref<!tpu.dma_semaphore, #tpu.memory_space<semaphore_mem>>)
      %dma_wait3A_138 = arith.constant 8192 : i32
      %dma_wait3A_139 = tpu.memref_slice %arg4[%select_n3A_82, %select_n3A_98, %dma_wait3A_138] : memref<26x32x16384xf32, #tpu.memory_space<hbm>> -> memref<1x1x4096xf32, #tpu.memory_space<hbm>>
      %dma_wait3A_140 = tpu.memref_squeeze %dma_wait3A_139 : memref<1x1x4096xf32, #tpu.memory_space<hbm>> -> memref<4096xf32, #tpu.memory_space<hbm>>
      %dma_wait3A_141 = arith.constant 8192 : i32
      %dma_wait3A_142 = tpu.memref_slice %arg4[%select_n3A_82, %select_n3A_98, %dma_wait3A_141] : memref<26x32x16384xf32, #tpu.memory_space<hbm>> -> memref<1x1x4096xf32, #tpu.memory_space<hbm>>
      %dma_wait3A_143 = tpu.memref_squeeze %dma_wait3A_142 : memref<1x1x4096xf32, #tpu.memory_space<hbm>> -> memref<4096xf32, #tpu.memory_space<hbm>>
      tpu.wait_dma2 semaphore(%arg10 : memref<!tpu.dma_semaphore, #tpu.memory_space<semaphore_mem>>) src(%dma_wait3A_143 : memref<4096xf32, #tpu.memory_space<hbm>>) dst(%arg7 : memref<4096xf32, #tpu.memory_space<vmem>>)
      %parallel_loop3A_144 = arith.constant 0 : i32
      %parallel_loop3A_145 = arith.constant 256 : i32
      %parallel_loop3A_146 = arith.constant 1 : i32
      scf.for %parallel_loop3A_168 = %parallel_loop3A_144 to %parallel_loop3A_145 step %parallel_loop3A_146  : i32 {
        %parallel_loop3A_169 = arith.constant 16 : i32
        %parallel_loop3A_170 = arith.muli %parallel_loop3A_168, %parallel_loop3A_169 : i32
        %parallel_loop3A_171 = arith.constant 8192 : i32
        %parallel_loop3A_172 = arith.addi %parallel_loop3A_171, %parallel_loop3A_170 : i32
        %parallel_loop3A_173 = arith.index_cast %parallel_loop3A_172 : i32 to index
        %parallel_loop3A_174 = tpu.vector_load %arg6[%parallel_loop3A_173] {strides = array<i32>} : memref<16384xi32, #tpu.memory_space<vmem>>, vector<16xi32>,
        %parallel_loop3A_175 = tpu.vector_load_idx %arg5[%parallel_loop3A_174] : memref<100000xf32, #tpu.memory_space<vmem>>[vector<16xi32>], vector<16xf32>,
        %parallel_loop3A_176 = arith.constant 16 : i32
        %parallel_loop3A_177 = arith.muli %parallel_loop3A_168, %parallel_loop3A_176 : i32
        %parallel_loop3A_178 = arith.index_cast %parallel_loop3A_177 : i32 to index
        %parallel_loop3A_179 = tpu.vector_load %arg7[%parallel_loop3A_178] {strides = array<i32>} : memref<4096xf32, #tpu.memory_space<vmem>>, vector<16xf32>,
        tpu.vector_store %arg7[%parallel_loop3A_178], %parallel_loop3A_175 {strides = array<i32>} : memref<4096xf32, #tpu.memory_space<vmem>>, vector<16xf32>,
      } {sc.loop_unroll_factor = 8 : i64, sc.parallel_access}
      %dma_start3A_147 = arith.constant 8192 : i32
      %dma_start3A_148 = tpu.memref_slice %arg4[%select_n3A_82, %select_n3A_98, %dma_start3A_147] : memref<26x32x16384xf32, #tpu.memory_space<hbm>> -> memref<1x1x4096xf32, #tpu.memory_space<hbm>>
      %dma_start3A_149 = tpu.memref_squeeze %dma_start3A_148 : memref<1x1x4096xf32, #tpu.memory_space<hbm>> -> memref<4096xf32, #tpu.memory_space<hbm>>
      %dma_start3A_150 = arith.constant 8192 : i32
      %dma_start3A_151 = tpu.memref_slice %arg4[%select_n3A_82, %select_n3A_98, %dma_start3A_150] : memref<26x32x16384xf32, #tpu.memory_space<hbm>> -> memref<1x1x4096xf32, #tpu.memory_space<hbm>>
      %dma_start3A_152 = tpu.memref_squeeze %dma_start3A_151 : memref<1x1x4096xf32, #tpu.memory_space<hbm>> -> memref<4096xf32, #tpu.memory_space<hbm>>
      tpu.enqueue_dma source(%arg7 : memref<4096xf32, #tpu.memory_space<vmem>>) target(%dma_start3A_152 : memref<4096xf32, #tpu.memory_space<hbm>>) target_semaphore(%arg10 : memref<!tpu.dma_semaphore, #tpu.memory_space<semaphore_mem>>)
      %dma_wait3A_153 = arith.constant 12288 : i32
      %dma_wait3A_154 = tpu.memref_slice %arg4[%select_n3A_82, %select_n3A_98, %dma_wait3A_153] : memref<26x32x16384xf32, #tpu.memory_space<hbm>> -> memref<1x1x4096xf32, #tpu.memory_space<hbm>>
      %dma_wait3A_155 = tpu.memref_squeeze %dma_wait3A_154 : memref<1x1x4096xf32, #tpu.memory_space<hbm>> -> memref<4096xf32, #tpu.memory_space<hbm>>
      %dma_wait3A_156 = arith.constant 12288 : i32
      %dma_wait3A_157 = tpu.memref_slice %arg4[%select_n3A_82, %select_n3A_98, %dma_wait3A_156] : memref<26x32x16384xf32, #tpu.memory_space<hbm>> -> memref<1x1x4096xf32, #tpu.memory_space<hbm>>
      %dma_wait3A_158 = tpu.memref_squeeze %dma_wait3A_157 : memref<1x1x4096xf32, #tpu.memory_space<hbm>> -> memref<4096xf32, #tpu.memory_space<hbm>>
      tpu.wait_dma2 semaphore(%arg11 : memref<!tpu.dma_semaphore, #tpu.memory_space<semaphore_mem>>) src(%dma_wait3A_158 : memref<4096xf32, #tpu.memory_space<hbm>>) dst(%arg8 : memref<4096xf32, #tpu.memory_space<vmem>>)
      %parallel_loop3A_159 = arith.constant 0 : i32
      %parallel_loop3A_160 = arith.constant 256 : i32
      %parallel_loop3A_161 = arith.constant 1 : i32
      scf.for %parallel_loop3A_168 = %parallel_loop3A_159 to %parallel_loop3A_160 step %parallel_loop3A_161  : i32 {
        %parallel_loop3A_169 = arith.constant 16 : i32
        %parallel_loop3A_170 = arith.muli %parallel_loop3A_168, %parallel_loop3A_169 : i32
        %parallel_loop3A_171 = arith.constant 12288 : i32
        %parallel_loop3A_172 = arith.addi %parallel_loop3A_171, %parallel_loop3A_170 : i32
        %parallel_loop3A_173 = arith.index_cast %parallel_loop3A_172 : i32 to index
        %parallel_loop3A_174 = tpu.vector_load %arg6[%parallel_loop3A_173] {strides = array<i32>} : memref<16384xi32, #tpu.memory_space<vmem>>, vector<16xi32>,
        %parallel_loop3A_175 = tpu.vector_load_idx %arg5[%parallel_loop3A_174] : memref<100000xf32, #tpu.memory_space<vmem>>[vector<16xi32>], vector<16xf32>,
        %parallel_loop3A_176 = arith.constant 16 : i32
        %parallel_loop3A_177 = arith.muli %parallel_loop3A_168, %parallel_loop3A_176 : i32
        %parallel_loop3A_178 = arith.index_cast %parallel_loop3A_177 : i32 to index
        %parallel_loop3A_179 = tpu.vector_load %arg8[%parallel_loop3A_178] {strides = array<i32>} : memref<4096xf32, #tpu.memory_space<vmem>>, vector<16xf32>,
        tpu.vector_store %arg8[%parallel_loop3A_178], %parallel_loop3A_175 {strides = array<i32>} : memref<4096xf32, #tpu.memory_space<vmem>>, vector<16xf32>,
      } {sc.loop_unroll_factor = 8 : i64, sc.parallel_access}
      %dma_start3A_162 = arith.constant 12288 : i32
      %dma_start3A_163 = tpu.memref_slice %arg4[%select_n3A_82, %select_n3A_98, %dma_start3A_162] : memref<26x32x16384xf32, #tpu.memory_space<hbm>> -> memref<1x1x4096xf32, #tpu.memory_space<hbm>>
      %dma_start3A_164 = tpu.memref_squeeze %dma_start3A_163 : memref<1x1x4096xf32, #tpu.memory_space<hbm>> -> memref<4096xf32, #tpu.memory_space<hbm>>
      %dma_start3A_165 = arith.constant 12288 : i32
      %dma_start3A_166 = tpu.memref_slice %arg4[%select_n3A_82, %select_n3A_98, %dma_start3A_165] : memref<26x32x16384xf32, #tpu.memory_space<hbm>> -> memref<1x1x4096xf32, #tpu.memory_space<hbm>>
      %dma_start3A_167 = tpu.memref_squeeze %dma_start3A_166 : memref<1x1x4096xf32, #tpu.memory_space<hbm>> -> memref<4096xf32, #tpu.memory_space<hbm>>
      tpu.enqueue_dma source(%arg8 : memref<4096xf32, #tpu.memory_space<vmem>>) target(%dma_start3A_167 : memref<4096xf32, #tpu.memory_space<hbm>>) target_semaphore(%arg11 : memref<!tpu.dma_semaphore, #tpu.memory_space<semaphore_mem>>)
      scf.yield %select_n3A_82 : i32
    }
    %scan3A_6 = arith.constant 26 : i32
    %mul3A_7 = arith.constant 26 : i32
    %mul3A_8 = arith.muli %add3A, %mul3A_7 : i32
    %add3A_9 = arith.constant 26 : i32
    %add3A_10 = arith.addi %mul3A_8, %add3A_9 : i32
    %sub3A = arith.constant 1 : i32
    %sub3A_11 = arith.subi %add3A_10, %sub3A : i32
    %jit3A = arith.constant 32 : i32
    %div3A = arith.divsi %sub3A_11, %jit3A : i32
    %sign3A = arith.constant 0 : i32
    %sign3A_12 = arith.cmpi sgt, %sub3A_11, %sign3A : i32
    %sign3A_13 = arith.extui %sign3A_12 : i1 to i32
    %sign3A_14 = arith.constant 0 : i32
    %sign3A_15 = arith.cmpi slt, %sub3A_11, %sign3A_14 : i32
    %sign3A_16 = arith.extui %sign3A_15 : i1 to i32
    %sign3A_17 = arith.subi %sign3A_13, %sign3A_16 : i32
    %sign3A_18 = arith.constant 0 : i32
    %sign3A_19 = arith.cmpi sgt, %jit3A, %sign3A_18 : i32
    %sign3A_20 = arith.extui %sign3A_19 : i1 to i32
    %sign3A_21 = arith.constant 0 : i32
    %sign3A_22 = arith.cmpi slt, %jit3A, %sign3A_21 : i32
    %sign3A_23 = arith.extui %sign3A_22 : i1 to i32
    %sign3A_24 = arith.subi %sign3A_20, %sign3A_23 : i32
    %ne3A = arith.cmpi ne, %sign3A_17, %sign3A_24 : i32
    %rem3A = arith.remsi %sub3A_11, %jit3A : i32
    %ne3A_25 = arith.constant 0 : i32
    %ne3A_26 = arith.cmpi ne, %rem3A, %ne3A_25 : i32
    %and3A = arith.andi %ne3A, %ne3A_26 : i1
    %sub3A_27 = arith.constant 1 : i32
    %sub3A_28 = arith.subi %div3A, %sub3A_27 : i32
    %select_n3A = arith.select %and3A, %sub3A_28, %div3A : i32
    %jit3A_29 = arith.constant 32 : i32
    %eq3A = arith.constant 0 : i32
    %eq3A_30 = arith.cmpi eq, %jit3A_29, %eq3A : i32
    %jit3A_31 = arith.constant 1 : i32
    %select_n3A_32 = arith.select %eq3A_30, %jit3A_31, %jit3A_29 : i32
    %rem3A_33 = arith.remsi %sub3A_11, %select_n3A_32 : i32
    %ne3A_34 = arith.constant 0 : i32
    %ne3A_35 = arith.cmpi ne, %rem3A_33, %ne3A_34 : i32
    %lt3A = arith.constant 0 : i32
    %lt3A_36 = arith.cmpi slt, %rem3A_33, %lt3A : i32
    %lt3A_37 = arith.constant 0 : i32
    %lt3A_38 = arith.cmpi slt, %select_n3A_32, %lt3A_37 : i32
    %ne3A_39 = arith.xori %lt3A_36, %lt3A_38 : i1
    %and3A_40 = arith.andi %ne3A_39, %ne3A_35 : i1
    %add3A_41 = arith.addi %rem3A_33, %select_n3A_32 : i32
    %select_n3A_42 = arith.select %and3A_40, %add3A_41, %rem3A_33 : i32
    %dma_wait3A = arith.constant 8192 : i32
    %dma_wait3A_43 = tpu.memref_slice %arg4[%select_n3A, %select_n3A_42, %dma_wait3A] : memref<26x32x16384xf32, #tpu.memory_space<hbm>> -> memref<1x1x4096xf32, #tpu.memory_space<hbm>>
    %dma_wait3A_44 = tpu.memref_squeeze %dma_wait3A_43 : memref<1x1x4096xf32, #tpu.memory_space<hbm>> -> memref<4096xf32, #tpu.memory_space<hbm>>
    %dma_wait3A_45 = arith.constant 8192 : i32
    %dma_wait3A_46 = tpu.memref_slice %arg4[%select_n3A, %select_n3A_42, %dma_wait3A_45] : memref<26x32x16384xf32, #tpu.memory_space<hbm>> -> memref<1x1x4096xf32, #tpu.memory_space<hbm>>
    %dma_wait3A_47 = tpu.memref_squeeze %dma_wait3A_46 : memref<1x1x4096xf32, #tpu.memory_space<hbm>> -> memref<4096xf32, #tpu.memory_space<hbm>>
    tpu.wait_dma2 semaphore(%arg10 : memref<!tpu.dma_semaphore, #tpu.memory_space<semaphore_mem>>) src(%dma_wait3A_47 : memref<4096xf32, #tpu.memory_space<hbm>>) dst(%arg7 : memref<4096xf32, #tpu.memory_space<vmem>>)
    %dma_wait3A_48 = arith.constant 12288 : i32
    %dma_wait3A_49 = tpu.memref_slice %arg4[%select_n3A, %select_n3A_42, %dma_wait3A_48] : memref<26x32x16384xf32, #tpu.memory_space<hbm>> -> memref<1x1x4096xf32, #tpu.memory_space<hbm>>
    %dma_wait3A_50 = tpu.memref_squeeze %dma_wait3A_49 : memref<1x1x4096xf32, #tpu.memory_space<hbm>> -> memref<4096xf32, #tpu.memory_space<hbm>>
    %dma_wait3A_51 = arith.constant 12288 : i32
    %dma_wait3A_52 = tpu.memref_slice %arg4[%select_n3A, %select_n3A_42, %dma_wait3A_51] : memref<26x32x16384xf32, #tpu.memory_space<hbm>> -> memref<1x1x4096xf32, #tpu.memory_space<hbm>>
    %dma_wait3A_53 = tpu.memref_squeeze %dma_wait3A_52 : memref<1x1x4096xf32, #tpu.memory_space<hbm>> -> memref<4096xf32, #tpu.memory_space<hbm>>
    tpu.wait_dma2 semaphore(%arg11 : memref<!tpu.dma_semaphore, #tpu.memory_space<semaphore_mem>>) src(%dma_wait3A_53 : memref<4096xf32, #tpu.memory_space<hbm>>) dst(%arg8 : memref<4096xf32, #tpu.memory_space<vmem>>)
    return
  }
}

module attributes {stable_mosaic.version = 14 : i64} {
  func.func @_mlp_body(%arg0: i32, %arg1: memref<832x2048xf32, #tpu.memory_space<vmem>>, %arg2: memref<13x2048xf32, #tpu.memory_space<vmem>>, %arg3: memref<832x512xbf16, #tpu.memory_space<vmem>>, %arg4: memref<13x512xf32, #tpu.memory_space<vmem>>, %arg5: memref<1x512xf32, #tpu.memory_space<vmem>>, %arg6: memref<512x256xf32, #tpu.memory_space<vmem>>, %arg7: memref<1x256xf32, #tpu.memory_space<vmem>>, %arg8: memref<256x128xf32, #tpu.memory_space<vmem>>, %arg9: memref<1x128xf32, #tpu.memory_space<vmem>>, %arg10: memref<128x1xf32, #tpu.memory_space<vmem>>, %arg11: memref<1x1xf32, #tpu.memory_space<vmem>>, %arg12: memref<1x2048xf32, #tpu.memory_space<vmem>>) attributes {dimension_semantics = [#tpu.dimension_semantics<arbitrary>], iteration_bounds = array<i64: 8>, scalar_prefetch = 0 : i64, scratch_operands = 0 : i64, tpu.core_type = #tpu.core_type<tc>, window_params = [{transform_indices = @transform_0, window_bounds = array<i64: 832, 2048>}, {transform_indices = @transform_1, window_bounds = array<i64: 13, 2048>}, {pipeline_mode = #tpu.pipeline_mode<synchronous>, transform_indices = @transform_2, window_bounds = array<i64: 832, 512>}, {pipeline_mode = #tpu.pipeline_mode<synchronous>, transform_indices = @transform_3, window_bounds = array<i64: 13, 512>}, {pipeline_mode = #tpu.pipeline_mode<synchronous>, transform_indices = @transform_4, window_bounds = array<i64: 1, 512>}, {pipeline_mode = #tpu.pipeline_mode<synchronous>, transform_indices = @transform_5, window_bounds = array<i64: 512, 256>}, {pipeline_mode = #tpu.pipeline_mode<synchronous>, transform_indices = @transform_6, window_bounds = array<i64: 1, 256>}, {pipeline_mode = #tpu.pipeline_mode<synchronous>, transform_indices = @transform_7, window_bounds = array<i64: 256, 128>}, {pipeline_mode = #tpu.pipeline_mode<synchronous>, transform_indices = @transform_8, window_bounds = array<i64: 1, 128>}, {pipeline_mode = #tpu.pipeline_mode<synchronous>, transform_indices = @transform_9, window_bounds = array<i64: 128, 1>}, {pipeline_mode = #tpu.pipeline_mode<synchronous>, transform_indices = @transform_10, window_bounds = array<i64: 1, 1>}, {transform_indices = @transform_11, window_bounds = array<i64: 1, 2048>}]} {
    %get3A = arith.constant 0 : index
    %get3A_0 = arith.constant 0 : index
    %get3A_1 = vector.load %arg1[%get3A, %get3A_0] : memref<832x2048xf32, #tpu.memory_space<vmem>>, vector<832x2048xf32>
    %convert_element_type3A = arith.truncf %get3A_1 : vector<832x2048xf32> to vector<832x2048xbf16>
    %get3A_2 = arith.constant 0 : index
    %get3A_3 = arith.constant 0 : index
    %get3A_4 = vector.load %arg3[%get3A_2, %get3A_3] : memref<832x512xbf16, #tpu.memory_space<vmem>>, vector<832x512xbf16>
    %dot_general3A = arith.constant dense<0.000000e+00> : vector<2048x512xf32>
    %dot_general3A_5 = tpu.matmul %convert_element_type3A, %get3A_4, %dot_general3A {dimension_numbers = #tpu.dot_dimension_numbers<[0], [0], [1], [1], [0, 1, 1, 1], [], []>, transpose_lhs_hint = false} : vector<832x2048xbf16>, vector<832x512xbf16>, vector<2048x512xf32> -> vector<2048x512xf32>
    %get3A_6 = arith.constant 0 : index
    %get3A_7 = arith.constant 0 : index
    %get3A_8 = vector.load %arg2[%get3A_6, %get3A_7] : memref<13x2048xf32, #tpu.memory_space<vmem>>, vector<13x2048xf32>
    %get3A_9 = arith.constant 0 : index
    %get3A_10 = arith.constant 0 : index
    %get3A_11 = vector.load %arg4[%get3A_9, %get3A_10] : memref<13x512xf32, #tpu.memory_space<vmem>>, vector<13x512xf32>
    %dot_general3A_12 = arith.constant dense<0.000000e+00> : vector<2048x512xf32>
    %dot_general3A_13 = tpu.matmul %get3A_8, %get3A_11, %dot_general3A_12 {dimension_numbers = #tpu.dot_dimension_numbers<[0], [0], [1], [1], [0, 1, 1, 1], [], []>, transpose_lhs_hint = false} : vector<13x2048xf32>, vector<13x512xf32>, vector<2048x512xf32> -> vector<2048x512xf32>
    %add3A = arith.addf %dot_general3A_5, %dot_general3A_13 : vector<2048x512xf32>
    %get3A_14 = arith.constant 0 : index
    %get3A_15 = arith.constant 0 : index
    %get3A_16 = vector.load %arg5[%get3A_14, %get3A_15] : memref<1x512xf32, #tpu.memory_space<vmem>>, vector<1x512xf32>
    %add3A_17 = vector.broadcast %get3A_16 : vector<1x512xf32> to vector<2048x512xf32>
    %add3A_18 = arith.addf %add3A, %add3A_17 : vector<2048x512xf32>
    %max3A = arith.constant 0.000000e+00 : f32
    %max3A_19 = vector.broadcast %max3A : f32 to vector<2048x512xf32>
    %max3A_20 = arith.maximumf %add3A_18, %max3A_19 : vector<2048x512xf32>
    %get3A_21 = arith.constant 0 : index
    %get3A_22 = arith.constant 0 : index
    %get3A_23 = vector.load %arg6[%get3A_21, %get3A_22] : memref<512x256xf32, #tpu.memory_space<vmem>>, vector<512x256xf32>
    %dot_general3A_24 = arith.constant dense<0.000000e+00> : vector<2048x256xf32>
    %dot_general3A_25 = tpu.matmul %max3A_20, %get3A_23, %dot_general3A_24 {dimension_numbers = #tpu.dot_dimension_numbers<[1], [0], [0], [1], [0, 0, 1, 1], [], []>, transpose_lhs_hint = false} : vector<2048x512xf32>, vector<512x256xf32>, vector<2048x256xf32> -> vector<2048x256xf32>
    %get3A_26 = arith.constant 0 : index
    %get3A_27 = arith.constant 0 : index
    %get3A_28 = vector.load %arg7[%get3A_26, %get3A_27] : memref<1x256xf32, #tpu.memory_space<vmem>>, vector<1x256xf32>
    %add3A_29 = vector.broadcast %get3A_28 : vector<1x256xf32> to vector<2048x256xf32>
    %add3A_30 = arith.addf %dot_general3A_25, %add3A_29 : vector<2048x256xf32>
    %max3A_31 = arith.constant 0.000000e+00 : f32
    %max3A_32 = vector.broadcast %max3A_31 : f32 to vector<2048x256xf32>
    %max3A_33 = arith.maximumf %add3A_30, %max3A_32 : vector<2048x256xf32>
    %get3A_34 = arith.constant 0 : index
    %get3A_35 = arith.constant 0 : index
    %get3A_36 = vector.load %arg8[%get3A_34, %get3A_35] : memref<256x128xf32, #tpu.memory_space<vmem>>, vector<256x128xf32>
    %dot_general3A_37 = arith.constant dense<0.000000e+00> : vector<2048x128xf32>
    %dot_general3A_38 = tpu.matmul %max3A_33, %get3A_36, %dot_general3A_37 {dimension_numbers = #tpu.dot_dimension_numbers<[1], [0], [0], [1], [0, 0, 1, 1], [], []>, transpose_lhs_hint = false} : vector<2048x256xf32>, vector<256x128xf32>, vector<2048x128xf32> -> vector<2048x128xf32>
    %get3A_39 = arith.constant 0 : index
    %get3A_40 = arith.constant 0 : index
    %get3A_41 = vector.load %arg9[%get3A_39, %get3A_40] : memref<1x128xf32, #tpu.memory_space<vmem>>, vector<1x128xf32>
    %add3A_42 = vector.broadcast %get3A_41 : vector<1x128xf32> to vector<2048x128xf32>
    %add3A_43 = arith.addf %dot_general3A_38, %add3A_42 : vector<2048x128xf32>
    %max3A_44 = arith.constant 0.000000e+00 : f32
    %max3A_45 = vector.broadcast %max3A_44 : f32 to vector<2048x128xf32>
    %max3A_46 = arith.maximumf %add3A_43, %max3A_45 : vector<2048x128xf32>
    %get3A_47 = arith.constant 0 : index
    %get3A_48 = arith.constant 0 : index
    %get3A_49 = vector.load %arg10[%get3A_47, %get3A_48] : memref<128x1xf32, #tpu.memory_space<vmem>>, vector<128x1xf32>
    %dot_general3A_50 = arith.constant dense<0.000000e+00> : vector<1x2048xf32>
    %dot_general3A_51 = tpu.matmul %get3A_49, %max3A_46, %dot_general3A_50 {dimension_numbers = #tpu.dot_dimension_numbers<[0], [1], [1], [0], [0, 1, 1, 0], [], []>, transpose_lhs_hint = false} : vector<128x1xf32>, vector<2048x128xf32>, vector<1x2048xf32> -> vector<1x2048xf32>
    %get3A_52 = arith.constant 0 : index
    %get3A_53 = arith.constant 0 : index
    %get3A_54 = vector.load %arg11[%get3A_52, %get3A_53] : memref<1x1xf32, #tpu.memory_space<vmem>>, vector<1x1xf32>
    %add3A_55 = vector.broadcast %get3A_54 : vector<1x1xf32> to vector<1x2048xf32>
    %add3A_56 = arith.addf %dot_general3A_51, %add3A_55 : vector<1x2048xf32>
    %logistic3A = arith.negf %add3A_56 : vector<1x2048xf32>
    %logistic3A_57 = math.exp %logistic3A : vector<1x2048xf32>
    %logistic3A_58 = arith.constant 1.000000e+00 : f32
    %logistic3A_59 = vector.broadcast %logistic3A_58 : f32 to vector<1x2048xf32>
    %logistic3A_60 = arith.addf %logistic3A_59, %logistic3A_57 : vector<1x2048xf32>
    %logistic3A_61 = arith.divf %logistic3A_59, %logistic3A_60 : vector<1x2048xf32>
    %swap3A = arith.constant 0 : index
    %swap3A_62 = arith.constant 0 : index
    %swap3A_63 = vector.load %arg12[%swap3A, %swap3A_62] : memref<1x2048xf32, #tpu.memory_space<vmem>>, vector<1x2048xf32>
    tpu.vector_store %arg12[%swap3A, %swap3A_62], %logistic3A_61 {strides = array<i32>} : memref<1x2048xf32, #tpu.memory_space<vmem>>, vector<1x2048xf32>,
    return
  }
  func.func @transform_0(%arg0: i32) -> (i32, i32) {
    %c0_i32 = arith.constant 0 : i32
    %c0_i32_0 = arith.constant 0 : i32
    return %c0_i32, %arg0 : i32, i32
  }
  func.func @transform_1(%arg0: i32) -> (i32, i32) {
    %c0_i32 = arith.constant 0 : i32
    %c0_i32_0 = arith.constant 0 : i32
    return %c0_i32, %arg0 : i32, i32
  }
  func.func @transform_2(%arg0: i32) -> (i32, i32) {
    %c0_i32 = arith.constant 0 : i32
    %c0_i32_0 = arith.constant 0 : i32
    %c0_i32_1 = arith.constant 0 : i32
    return %c0_i32, %c0_i32_0 : i32, i32
  }
  func.func @transform_3(%arg0: i32) -> (i32, i32) {
    %c0_i32 = arith.constant 0 : i32
    %c0_i32_0 = arith.constant 0 : i32
    %c0_i32_1 = arith.constant 0 : i32
    return %c0_i32, %c0_i32_0 : i32, i32
  }
  func.func @transform_4(%arg0: i32) -> (i32, i32) {
    %c0_i32 = arith.constant 0 : i32
    %c0_i32_0 = arith.constant 0 : i32
    %c0_i32_1 = arith.constant 0 : i32
    return %c0_i32, %c0_i32_0 : i32, i32
  }
  func.func @transform_5(%arg0: i32) -> (i32, i32) {
    %c0_i32 = arith.constant 0 : i32
    %c0_i32_0 = arith.constant 0 : i32
    %c0_i32_1 = arith.constant 0 : i32
    return %c0_i32, %c0_i32_0 : i32, i32
  }
  func.func @transform_6(%arg0: i32) -> (i32, i32) {
    %c0_i32 = arith.constant 0 : i32
    %c0_i32_0 = arith.constant 0 : i32
    %c0_i32_1 = arith.constant 0 : i32
    return %c0_i32, %c0_i32_0 : i32, i32
  }
  func.func @transform_7(%arg0: i32) -> (i32, i32) {
    %c0_i32 = arith.constant 0 : i32
    %c0_i32_0 = arith.constant 0 : i32
    %c0_i32_1 = arith.constant 0 : i32
    return %c0_i32, %c0_i32_0 : i32, i32
  }
  func.func @transform_8(%arg0: i32) -> (i32, i32) {
    %c0_i32 = arith.constant 0 : i32
    %c0_i32_0 = arith.constant 0 : i32
    %c0_i32_1 = arith.constant 0 : i32
    return %c0_i32, %c0_i32_0 : i32, i32
  }
  func.func @transform_9(%arg0: i32) -> (i32, i32) {
    %c0_i32 = arith.constant 0 : i32
    %c0_i32_0 = arith.constant 0 : i32
    %c0_i32_1 = arith.constant 0 : i32
    return %c0_i32, %c0_i32_0 : i32, i32
  }
  func.func @transform_10(%arg0: i32) -> (i32, i32) {
    %c0_i32 = arith.constant 0 : i32
    %c0_i32_0 = arith.constant 0 : i32
    %c0_i32_1 = arith.constant 0 : i32
    return %c0_i32, %c0_i32_0 : i32, i32
  }
  func.func @transform_11(%arg0: i32) -> (i32, i32) {
    %c0_i32 = arith.constant 0 : i32
    %c0_i32_0 = arith.constant 0 : i32
    return %c0_i32, %arg0 : i32, i32
  }
}

</mosaic_0001>

<sc_bundles>
// kernel: kernel.4.cloned.1.call-start
scs
__scs_entry_jumppad:
0x0: {  	(pc) =	sbr.rel $0x88, $3  }
0x1: {  	(tag) =	ssettag $0x0;
	lr =	simm.s32 $0x1  }
0x2: {  	[smem:$0x3F96] =	sst lr;
	_ =	strace $0xD0000000  }
0x3: {  	_ = 	snop  }
0x4: {  	_ = 	snop  }
0x5: {  	_ = 	snop  }
0x6: {  	_ = 	snop  }
0x7: {  	_ = 	snop  }
__scs_overlays_trampoline_lowered:
0x8: {  	[smem:$0x3FA5] =	sst s0  }
0x9: {  	[smem:$0x3FA6] =	sst s1  }
0xa: {  	[smem:$0x3FA7] =	sst s2  }
0xb: {  	[smem:$0x3FA8] =	sst s3  }
0xc: {  	[smem:$0x3FA9] =	sst s4  }
0xd: {  	[smem:$0x3FAA] =	sst s5  }
0xe: {  	[smem:$0x3FAB] =	sst s6  }
0xf: {  	[smem:$0x3FAC] =	sst s7  }
0x10: {  	[smem:$0x3FAD] =	sst s8  }
0x11: {  	[smem:$0x3FAE] =	sst s9;
	s0 =	simm.s32 @!p0 $0x0  }
0x12: {  	s1 =	sld [smem:$0x3F94];
	s0 =	simm.s32 @p0 $0x1  }
0x13: {  	[smem:$0x3FAF] =	sst s0;
	s0 =	simm.s32 @!p1 $0x0  }
0x14: {  	s2 =	sld [smem:$0x3F93];
	s0 =	simm.s32 @p1 $0x1  }
0x15: {  	[smem:$0x3FB0] =	sst s0;
	s0 =	simm.s32 @!p2 $0x0  }
0x16: {  	s3 =	sld [smem:$0x3FDB];
	s0 =	simm.s32 @p2 $0x1  }
0x17: {  	s4 =	simm.s32 $0x1BF5;
	[smem:$0x3FB2] =	sst s0  }
0x18: {  	s0 =	sld [smem:$0x3F95];
	_ =	swait.ge [sflag:s4], $0x0  }
0x19: {  	s7 =	sld [smem:$0x3F96]  }
0x1a: {  	s8 =	sadd.s32 $0xFFFFE003, lr  }
0x1b: {  	s9 =	sadd.s32 $0xFFFFFEF7, lr;
	s5 =	simm.s32 $0xFFFFFFFF;
	p2 =	slt.u32 s8, $0xFFFFF086  }
0x1c: {  	p1 =	slt.u32 s9, $0xF7A;
	s5 =	simm.s32 @!p2 $0x0  }
0x1d: {  	s5 =	simm.s32 @p1 $0x1;
	p0 =	seq.s32 s7, s2  }
0x1e: {  	s7 =	smul.u32 @!p0 $0xF7A, s2;
	p2 =	seq.s32 @!p0 s5, $0x0  }
0x1f: {  	s9 =	smul.u32 $0xF7A, s1;
	s8 =	simm.s32 @!p0 $0x1BF5;
	p2 =	por !p2, p0  }
0x20: {  	[sflag:s8] =	ssyncset.s32 @!p0 $0xFFFFF086;
	s6 =	sadd.s32 @!p0 s3, s7;
	s7 =	simm.s32 @!p0 $0x108  }
0x21: {  	s3 =	sadd.s32 s3, s9;
	s6 =	sadd.s32 @!p0 $0x88, s6;
	s7 =	simm.s32 @p2 $0x1082  }
0x22: {  	[simem:s7], [sflag:s8] =	dma.local @!p0 [hbm:s6], $0xF7A  }
0x23: {  	s9 =	sor.u32 $0xD0000000, s2;
	s6 =	simm.s32 $0x108;
	_ =	swait.ge @!p0 [sflag:s8], $0x0  }
0x24: {  	s3 =	sadd.s32 $0x88, s3;
	s6 =	simm.s32 @!p1 $0x1082;
	[sflag:s4] =	ssyncset.s32 $0xFFFFF086  }
0x25: {  	[simem:s6], [sflag:s4] =	dma.local [hbm:s3], $0xF7A  }
0x26: {  	[smem:$0x3F96] =	sst s1;
	(tag) =	ssettag s2;
	_ =	strace s9  }
0x27: {  	s1 =	sld [smem:$0x3FA6]  }
0x28: {  	s2 =	sld [smem:$0x3FA7]  }
0x29: {  	s4 =	sld [smem:$0x3FA9]  }
0x2a: {  	p0 =	seq.s32 s5, $0x0;
	s5 =	sld [smem:$0x3FAA]  }
0x2b: {  	s6 =	sld [smem:$0x3FAB]  }
0x2c: {  	s7 =	sld [smem:$0x3FAC]  }
0x2d: {  	s3 =	simm.s32 $0x108;
	s8 =	sld [smem:$0x3FAD]  }
0x2e: {  	s3 =	simm.s32 @!p0 $0x1082;
	s9 =	sld [smem:$0x3FAE]  }
0x2f: {  	lr =	sadd.s32 s0, s3;
	s0 =	sld [smem:$0x3FA5]  }
0x30: {  	s3 =	sld [smem:$0x3FA8]  }
0x31: {  	[smem:$0x3FB1] =	sst s10  }
0x32: {  	s10 =	sld [smem:$0x3FAF];
	_ =	sdelay $0x3  }
0x33: {  	p0 =	seq.s32 s10, $0x1;
	s10 =	sld [smem:$0x3FB1];
	_ =	sdelay $0x3  }
0x34: {  	[smem:$0x3FB1] =	sst s10  }
0x35: {  	s10 =	sld [smem:$0x3FB0];
	_ =	sdelay $0x3  }
0x36: {  	p1 =	seq.s32 s10, $0x1;
	s10 =	sld [smem:$0x3FB1];
	_ =	sdelay $0x3  }
0x37: {  	[smem:$0x3FB1] =	sst s10  }
0x38: {  	s10 =	sld [smem:$0x3FB2]  }
0x39: {  	_ = 	snop;
	(pc) =	sbr.ind lr, $3  }
0x3a: {  	_ = 	snop  }
0x3b: {  	_ = 	snop  }
0x3c: {  	p2 =	seq.s32 s10, $0x1;
	s10 =	sld [smem:$0x3FB1]  }
0x3d: {  	_ =	shalt  }
0x3e: {  	_ =	shalt  }
0x3f: {  	_ =	shalt  }
0x40: {  	_ =	shalt  }
0x41: {  	_ =	shalt  }
0x42: {  	_ =	shalt  }
0x43: {  	_ =	shalt  }
0x44: {  	_ =	shalt  }
0x45: {  	_ =	shalt  }
0x46: {  	_ =	shalt  }
0x47: {  	_ =	shalt  }
0x48: {  	_ =	shalt  }
0x49: {  	_ =	shalt  }
0x4a: {  	_ =	shalt  }
0x4b: {  	_ =	shalt  }
0x4c: {  	_ =	shalt  }
0x4d: {  	_ =	shalt  }
0x4e: {  	_ =	shalt  }
0x4f: {  	_ =	shalt  }
0x50: {  	_ =	shalt  }
0x51: {  	_ =	shalt  }
0x52: {  	_ =	shalt  }
0x53: {  	_ =	shalt  }
0x54: {  	_ =	shalt  }
0x55: {  	_ =	shalt  }
0x56: {  	_ =	shalt  }
0x57: {  	_ =	shalt  }
0x58: {  	_ =	shalt  }
0x59: {  	_ =	shalt  }
0x5a: {  	_ =	shalt  }
0x5b: {  	_ =	shalt  }
0x5c: {  	_ =	shalt  }
0x5d: {  	_ =	shalt  }
0x5e: {  	_ =	shalt  }
0x5f: {  	_ =	shalt  }
0x60: {  	_ =	shalt  }
0x61: {  	_ =	shalt  }
0x62: {  	_ =	shalt  }
0x63: {  	_ =	shalt  }
0x64: {  	_ =	shalt  }
0x65: {  	_ =	shalt  }
0x66: {  	_ =	shalt  }
0x67: {  	_ =	shalt  }
0x68: {  	_ =	shalt  }
0x69: {  	_ =	shalt  }
0x6a: {  	_ =	shalt  }
0x6b: {  	_ =	shalt  }
0x6c: {  	_ =	shalt  }
0x6d: {  	_ =	shalt  }
0x6e: {  	_ =	shalt  }
0x6f: {  	_ =	shalt  }
0x70: {  	_ =	shalt  }
0x71: {  	_ =	shalt  }
0x72: {  	_ =	shalt  }
0x73: {  	_ =	shalt  }
0x74: {  	_ =	shalt  }
0x75: {  	_ =	shalt  }
0x76: {  	_ =	shalt  }
0x77: {  	_ =	shalt  }
0x78: {  	_ =	shalt  }
0x79: {  	_ =	shalt  }
0x7a: {  	_ =	shalt  }
0x7b: {  	_ =	shalt  }
0x7c: {  	_ =	shalt  }
0x7d: {  	_ =	shalt  }
0x7e: {  	_ =	shalt  }
0x7f: {  	_ =	shalt  }
0x80: {  	_ =	shalt  }
0x81: {  	_ =	shalt  }
0x82: {  	_ =	shalt  }
0x83: {  	_ =	shalt  }
0x84: {  	_ =	shalt  }
0x85: {  	_ =	shalt  }
0x86: {  	_ =	shalt  }
0x87: {  	_ =	shalt  }
.Lfunc_end0:
.L_simem_size_0:
called_computation_lowered:
.L_overlay_start_0:
0x88: {  	s2 =	sld [smem:$0x3FD9]  }
0x89: {  	s3 =	sld [smem:$0x3FFE];
	_ =	sdelay $0x1  }
0x8a: {  	s1 =	srdreg.scid  }
0x8b: {  	s0 =	sand.u32 $0x1, s1  }
0x8c: {  	s17 =	sshll.u32 s0, $0xA;
	s2 =	sadd.s32 s3, s2  }
0x8d: {  	s2 =	sadd.s32 s2, s17  }
0x8e: {  	[smem:$0x3FBD] =	sst s2  }
0x8f: {  	_ = 	snop  }
0x90: {  	s2 =	sld [smem:$0x3FC9]  }
0x91: {  	s18 =	sld [smem:$0x3FC7];
	(tm) =	ssettm $0x1  }
0x92: {  	s4 =	sld [smem:$0x3FFB];
	_ =	sdelay $0x3  }
0x93: {  	_ =	strace s4  }
0x94: {  	s4 =	sld [smem:$0x3FFC];
	_ =	sdelay $0x3  }
0x95: {  	_ =	strace s4  }
0x96: {  	s4 =	sld [smem:$0x3FFD];
	_ =	sdelay $0x3  }
0x97: {  	_ =	strace s4  }
0x98: {  	_ =	strace $0x8FFFFFFF  }
0x99: {  	s19 =	sld [smem:$0x3FDB];
	_ =	sdelay $0x1  }
0x9a: {  	s5 =	simm.s32 $_scs_section_size  }
0x9b: {  	s6 =	simm.s32 $_size__tile_overlayer_lowered;
	s7 =	simm.s32 $_tile_overlayer_lowered  }
0x9c: {  	s22 =	simm.s32 $0x1BFF;
	s21 =	sshll.u32 s7, $0x1;
	s4 =	sadd.s32 s5, s19  }
0x9d: {  	s8 =	simm.s32 $0x0;
	s20 =	sshll.u32 s6, $0x1;
	s6 =	sadd.s32 s21, s4  }
0x9e: {  	[timem:s8], [sflag:s22] =	dma.local [hbm:s6], s20  }
0x9f: {  	_ =	swait.ge [sflag:s22], s20  }
0xa0: {  	s5 =	ssub.s32 $0x0, s20;
	[sflag:s22] =	ssyncset.done $0x0  }
0xa1: {  	[sflag:s22] =	ssyncadd.s32 s5;
	_ =	sdelay $0x1  }
0xa2: {  	s23 =	simm.s32 $0x1B8B  }
0xa3: {  	_ =	swait.ge [sflag:s23], $0x1  }
0xa4: {  	[sflag:s23] =	ssyncset.done $0x0  }
0xa5: {  	s25 =	simm.s32 $0x1B8E;
	s24 =	sld [smem:$0x3FFE];
	[sflag:s23] =	ssyncadd.s32 $0xFFFFFFFF  }
0xa6: {  	s26 =	simm.s32 $execute0_lowered;
	[smem:$0x3FD2] =	sst s25  }
0xa7: {  	s6 =	sshll.u32 s26, $0x1;
	_ =	strace $0x80000046;
	[dreg:$0x1] =	wrdreg $0xFFFFFFFF  }
0xa8: {  	s28 =	simm.s32 $_size_execute0_lowered;
	s4 =	sadd.s32 s4, s6;
	[dreg:$0x0] =	wrdreg $0x0  }
0xa9: {  	s6 =	sshll.u32 s28, $0x1;
	[dreg:$0x2] =	wrdreg s4  }
0xaa: {  	[dreg:$0x3] =	wrdreg s6  }
0xab: {  	[dreg:$0x4] =	wrdreg $0xC0  }
0xac: {  	_ =	task [dreg:s8], $0x5FFFF  }
0xad: {  	[dreg:$0x1] =	wrdreg $0xFFFFFFFF  }
0xae: {  	[dreg:$0x0] =	wrdreg $0x60  }
0xaf: {  	[dreg:$0x2] =	wrdreg s18  }
0xb0: {  	[dreg:$0x3] =	wrdreg s2  }
0xb1: {  	[dreg:$0x4] =	wrdreg s24  }
0xb2: {  	[dreg:$0x5] =	wrdreg $0x9  }
0xb3: {  	_ =	task.clear_ibuf [dreg:s8], $0x6FFFF;
	_ =	strace $0x90000046  }
0xb4: {  	s29 =	simm.s32 $0x9;
	_ =	strace $0x80000048  }
0xb5: {  	_ =	swait.ge [sflag:s29], $0x1  }
0xb6: {  	[sflag:s29] =	ssyncadd.s32 $0xFFFFFFFF  }
0xb7: {  	_ =	strace $0x90000048  }
0xb8: {  	_ =	sfence  }
0xb9: {  	s30 =	sld [smem:$0x0];
	_ =	sdelay $0x2  }
0xba: {  	s31 =	sshll.u32 s1, $0xD;
	s1 =	sshrl.u32 s1, $0x2  }
0xbb: {  	s3 =	sand.u32 $0x4000, s31;
	s1 =	sadd.s32 s1, s30  }
0xbc: {  	s0 =	sor.u32 s3, s0;
	s1 =	sshll.u32 s1, $0x11  }
0xbd: {  	s0 =	sor.u32 s1, s0  }
0xbe: {  	s0 =	sadd.s32 $0x8F2B, s0  }
0xbf: {  	[sflag:s0] =	ssyncadd.remote.s32 $0x1  }
0xc0: {  	_ =	sfence.sel $0xFFFF  }
0xc1: {  	[dreg:$0x0] =	wrdreg $0xFFFFFFFF;
	(pc) =	sbr.abs _section_cstart, $3  }
0xc2: {  	[dreg:$0x1] =	wrdreg $0xFFFFFFFF  }
0xc3: {  	_ =	task.clear_ibuf [dreg:s8], $0x2FFFF;
	_ =	strace $0x9FFFFFFF  }
0xc4: {  	(tm) =	ssettm $0x7FFFFFFF  }
0xc5: {  	_ =	shalt  }
tec
execute0_lowered:
.L_overlay_start_1:
0x0: {  	(tag) =	ssettag $0x1  }
0x1: {  	s1 =	rddreg [dreg:$0x0]  }
0x2: {  	s2 =	rddreg [dreg:$0x1]  }
0x3: {  	s9 =	rddreg [dreg:$0x2]  }
0x4: {  	s0 =	rddreg [dreg:$0x3];
	s5 =	srdreg.scid  }
0x5: {  	s4 =	simm.s32 $0x0;
	s3 =	stileid.u32;
	s11 =	simm.s32 $0x80  }
0x6: {  	s12 =	simm.s32 $0x400;
	s13 =	simm.s32 $0x1;
	s14 =	simm.s32 $0x1C700  }
0x7: {  	s15 =	simm.s32 $0x1D700;
	s16 =	simm.s32 $0x2;
	s17 =	simm.s32 $0x3  }
0x8: {  	s18 =	simm.s32 $0x0;
	s5 =	sand.u32 $0x1, s5;
	[smem:$0x7FF] =	sst s4  }
0x9: {  	s7 =	sshll.u32 s3, $0x1;
	s6 =	ssub.s32 $0x2, s5;
	_ =	strace $0x80000047  }
0xa: {  	s7 =	sor.u32 s5, s7;
	s5 =	sadd.s32 $0x1400, s9;
	s8 =	sshrl.u32 s6, $0x1  }
0xb: {  	s10 =	ssub.s32 s6, s8;
	s6 =	smul.u32 $0x1A, s7;
	s7 =	sadd.s32 $0x2400, s9  }
0xc: {  	s8 =	sadd.s32 $0x3400, s9;
	s9 =	sadd.s32 $0x4400, s9;
	s10 =	smax.u32 s10, $0x1  }
.LBB2_1:
0xd: {  	s20 =	simm.s32 $0xFFFFFFFF;
	s19 =	simm.s32 $0x0  }
.LBB2_2:
0xe: {  	s22 =	sadd.s32 s6, s19  }
0xf: {  	s21 =	smov.u32 s20;
	s20 =	sshrl.u32 s22, $0x5  }
0x10: {  	p0 =	seq.s32 s20, s21  }
0x11: {  	s21 =	sshll.u32 @!p0 s20, $0x4  }
0x12: {  	s28 =	sshrl.u32 s22, $0x3;
	s23 =	sshll.u32 @!p0 s20, $0xB;
	s21 =	sand.u32 @!p0 $0x70, s21  }
0x13: {  	s24 =	simm.s32 @!p0 $0x400;
	s23 =	sand.u32 @!p0 $0xFFFC000, s23;
	s21 =	sadd.s32 @!p0 s2, s21  }
0x14: {  	s25 =	simm.s32 @!p0 $0x18700;
	s21 =	sadd.s32 @!p0 s23, s21;
	s23 =	simm.s32 @!p0 $0x80  }
0x15: {  	[tilespmem:s25], [sflag:$0x4] =	stream.strided.gather @!p0 [hbm4b:s21+s23], $0x4000, s24, s23, $0x38;
	[tilespmem:$0x1E700] =	vst v63  }
0x16: {  	s29 =	smul.u32 $0x30E000, s20;
	s21 =	sand.u32 $0x3, s28  }
0x17: {  	s30 =	smul.u32 $0xC3800, s21  }
0x18: {  	s22 =	sshll.u32 s22, $0x7  }
0x19: {  	s22 =	sand.u32 $0x380, s22;
	s25 =	simm.s32 @!p0 $0x4;
	s23 =	sadd.s32 s29, s30  }
0x1a: {  	_ =	swait.ge @!p0 [sflag:s25], $0x4000;
	s23 =	sor.u32 s22, s23  }
0x1b: {  	[sflag:s25] =	ssyncset.done @!p0 $0x0;
	s23 =	sshrl.u32 s23, $0x3  }
0x1c: {  	[sflag:s25] =	ssyncadd.s32 @!p0 $0xFFFFC000;
	s23 =	sadd.s32 s1, s23  }
0x1d: {  	[tilespmem:s4], [sflag:$0x1] =	stream.strided.gather [hbm4b:s23+s11], $0x18700, s12, s11, $0x38;
	[tilespmem:$0x1E700] =	vst v63  }
0x1e: {  	_ =	swait.ge [sflag:s13], $0x18700  }
0x1f: {  	p0 =	seq.s32 s19, $0x0;
	[sflag:s13] =	ssyncset.done $0x0  }
0x20: {  	s23 =	simm.s32 @!p0 $0x2;
	[sflag:s13] =	ssyncadd.s32 $0xFFFE7900  }
0x21: {  	_ =	swait.ge @!p0 [sflag:s23], $0x1000  }
0x22: {  	[sflag:s23] =	ssyncset.done @!p0 $0x0  }
0x23: {  	s31 =	simm.s32 $0x18740;
	[sflag:s23] =	ssyncadd.s32 @!p0 $0xFFFFF000  }
0x24: {  	v0 =	vld [tilespmem:s31+$0x30]  }
0x25: {  	v1 =	vld [tilespmem:s31+$0xFFFFFFD0]  }
0x26: {  	v2 =	vld [tilespmem:s31+$0xFFFFFFE0]  }
0x27: {  	v3 =	vld [tilespmem:s31+$0xFFFFFFF0]  }
0x28: {  	v6 =	vld [tilespmem:s31+$0x0]  }
0x29: {  	v7 =	vld [tilespmem:s31+$0x10]  }
0x2a: {  	v8 =	vld [tilespmem:s31+$0x20]  }
0x2b: {  	v9 =	vld [tilespmem:s31+$0xFFFFFFC0]  }
0x2c: {  	v10 =	vld.idx.msk [tilespmem:v0+s4+$0x0], $0xffff  }
0x2d: {  	v11 =	vld.idx.msk [tilespmem:v1+s4+$0x0], $0xffff  }
0x2e: {  	v5 =	vld.idx.msk [tilespmem:v2+s4+$0x0], $0xffff  }
0x2f: {  	v4 =	vld.idx.msk [tilespmem:v3+s4+$0x0], $0xffff  }
0x30: {  	v3 =	vld.idx.msk [tilespmem:v6+s4+$0x0], $0xffff  }
0x31: {  	s23 =	simm.s32 $0x1C740;
	v1 =	vld.idx.msk [tilespmem:v7+s4+$0x0], $0xffff  }
0x32: {  	v0 =	vld.idx.msk [tilespmem:v8+s4+$0x0], $0xffff;
	[tilespmem:s23+$0x30] =	vst v10  }
0x33: {  	s24 =	simm.s32 $0x0;
	s25 =	simm.s32 $0x187C0;
	v2 =	vld.idx.msk [tilespmem:v9+s4+$0x0], $0xffff;
	[tilespmem:s23+$0xFFFFFFD0] =	vst v11  }
.LBB2_3:
0x34: {  	v6 =	vld [tilespmem:s25+$0x30];
	s24 =	sadd.s32 $0x8, s24;
	[tilespmem:s23+$0xFFFFFFE0] =	vst v5  }
0x35: {  	v5 =	vld [tilespmem:s25+$0xFFFFFFD0];
	p1 =	slt.u32 s24, $0xF8;
	[tilespmem:s23+$0xFFFFFFF0] =	vst v4  }
0x36: {  	v4 =	vld [tilespmem:s25+$0xFFFFFFE0];
	[tilespmem:s23+$0x0] =	vst v3  }
0x37: {  	v3 =	vld [tilespmem:s25+$0xFFFFFFF0];
	[tilespmem:s23+$0x10] =	vst v1  }
0x38: {  	v1 =	vld [tilespmem:s25+$0x0];
	[tilespmem:s23+$0x20] =	vst v0  }
0x39: {  	v0 =	vld [tilespmem:s25+$0x10];
	[tilespmem:s23+$0xFFFFFFC0] =	vst v2  }
0x3a: {  	v2 =	vld [tilespmem:s25+$0x20]  }
0x3b: {  	v7 =	vld [tilespmem:s25+$0xFFFFFFC0]  }
0x3c: {  	v6 =	vld.idx.msk [tilespmem:v6+s4+$0x0], $0xffff  }
0x3d: {  	v8 =	vld.idx.msk [tilespmem:v5+s4+$0x0], $0xffff  }
0x3e: {  	v5 =	vld.idx.msk [tilespmem:v4+s4+$0x0], $0xffff  }
.Ltmp0:
0x3f: {  	v4 =	vld.idx.msk [tilespmem:v3+s4+$0x0], $0xffff;
	(pc) =	sbr.rel @p1 .LBB2_3-.Ltmp0, $4  }
0x40: {  	v3 =	vld.idx.msk [tilespmem:v1+s4+$0x0], $0xffff  }
0x41: {  	s23 =	sadd.s32 $0x80, s23;
	v1 =	vld.idx.msk [tilespmem:v0+s4+$0x0], $0xffff  }
0x42: {  	v0 =	vld.idx.msk [tilespmem:v2+s4+$0x0], $0xffff;
	[tilespmem:s23+$0x30] =	vst v6  }
0x43: {  	s25 =	sadd.s32 $0x80, s25;
	v2 =	vld.idx.msk [tilespmem:v7+s4+$0x0], $0xffff;
	[tilespmem:s23+$0xFFFFFFD0] =	vst v8  }
0x44: {  	[tilespmem:s23+$0xFFFFFFE0] =	vst v5  }
0x45: {  	[tilespmem:s23+$0xFFFFFFF0] =	vst v4;
	s24 =	sshll.u32 s20, $0x13;
	s21 =	sshll.u32 s21, $0x11  }
0x46: {  	[tilespmem:s23+$0x0] =	vst v3;
	s21 =	sor.u32 s24, s21  }
0x47: {  	[tilespmem:s23+$0x10] =	vst v1;
	s21 =	sor.u32 s22, s21  }
0x48: {  	[tilespmem:s23+$0x20] =	vst v0;
	s21 =	sshrl.u32 s21, $0x3  }
0x49: {  	s22 =	simm.s32 @!p0 $0x3;
	[tilespmem:s23+$0xFFFFFFC0] =	vst v2;
	s30 =	sadd.s32 s5, s21  }
0x4a: {  	[hbm4b:s30+s11] =	stream.strided.scatter [tilespmem:s14], [sflag:$0x2], $0x1000, s12, s11, $0x38;
	[tilespmem:$0x1E700] =	vst v63  }
0x4b: {  	_ =	swait.ge @!p0 [sflag:s22], $0x1000  }
0x4c: {  	[sflag:s22] =	ssyncset.done @!p0 $0x0  }
0x4d: {  	s31 =	simm.s32 $0x19770;
	[sflag:s22] =	ssyncadd.s32 @!p0 $0xFFFFF000  }
0x4e: {  	v0 =	vld [tilespmem:s31+$0x0]  }
0x4f: {  	v1 =	vld [tilespmem:s31+$0xFFFFFFA0]  }
0x50: {  	v2 =	vld [tilespmem:s31+$0xFFFFFFB0]  }
0x51: {  	v3 =	vld [tilespmem:s31+$0xFFFFFFC0]  }
0x52: {  	v4 =	vld [tilespmem:s31+$0xFFFFFFD0]  }
0x53: {  	v6 =	vld [tilespmem:s31+$0xFFFFFFE0]  }
0x54: {  	v7 =	vld [tilespmem:s31+$0xFFFFFFF0]  }
0x55: {  	v8 =	vld [tilespmem:s31+$0xFFFFFF90]  }
0x56: {  	v9 =	vld.idx.msk [tilespmem:v0+s4+$0x0], $0xffff  }
0x57: {  	v10 =	vld.idx.msk [tilespmem:v1+s4+$0x0], $0xffff  }
0x58: {  	v5 =	vld.idx.msk [tilespmem:v2+s4+$0x0], $0xffff  }
0x59: {  	v3 =	vld.idx.msk [tilespmem:v3+s4+$0x0], $0xffff  }
0x5a: {  	v0 =	vld.idx.msk [tilespmem:v4+s4+$0x0], $0xffff  }
0x5b: {  	s22 =	simm.s32 $0x1D740;
	v1 =	vld.idx.msk [tilespmem:v6+s4+$0x0], $0xffff  }
0x5c: {  	v2 =	vld.idx.msk [tilespmem:v7+s4+$0x0], $0xffff;
	[tilespmem:s22+$0x30] =	vst v9  }
0x5d: {  	s24 =	simm.s32 $0x197F0;
	s23 =	simm.s32 $0x0;
	v4 =	vld.idx.msk [tilespmem:v8+s4+$0x0], $0xffff;
	[tilespmem:s22+$0xFFFFFFD0] =	vst v10  }
.LBB2_5:
0x5e: {  	v6 =	vld [tilespmem:s24+$0x0];
	s23 =	sadd.s32 $0x8, s23;
	[tilespmem:s22+$0xFFFFFFE0] =	vst v5  }
0x5f: {  	v5 =	vld [tilespmem:s24+$0xFFFFFFA0];
	p0 =	slt.u32 s23, $0xF8;
	[tilespmem:s22+$0xFFFFFFF0] =	vst v3  }
0x60: {  	v3 =	vld [tilespmem:s24+$0xFFFFFFB0];
	[tilespmem:s22+$0x0] =	vst v0  }
0x61: {  	v0 =	vld [tilespmem:s24+$0xFFFFFFC0];
	[tilespmem:s22+$0x10] =	vst v1  }
0x62: {  	v1 =	vld [tilespmem:s24+$0xFFFFFFD0];
	[tilespmem:s22+$0x20] =	vst v2  }
0x63: {  	v2 =	vld [tilespmem:s24+$0xFFFFFFE0];
	[tilespmem:s22+$0xFFFFFFC0] =	vst v4  }
0x64: {  	v4 =	vld [tilespmem:s24+$0xFFFFFFF0]  }
0x65: {  	v7 =	vld [tilespmem:s24+$0xFFFFFF90]  }
0x66: {  	v6 =	vld.idx.msk [tilespmem:v6+s4+$0x0], $0xffff  }
0x67: {  	v8 =	vld.idx.msk [tilespmem:v5+s4+$0x0], $0xffff  }
0x68: {  	v5 =	vld.idx.msk [tilespmem:v3+s4+$0x0], $0xffff  }
.Ltmp1:
0x69: {  	v3 =	vld.idx.msk [tilespmem:v0+s4+$0x0], $0xffff;
	(pc) =	sbr.rel @p0 .LBB2_5-.Ltmp1, $4  }
0x6a: {  	v0 =	vld.idx.msk [tilespmem:v1+s4+$0x0], $0xffff  }
0x6b: {  	s22 =	sadd.s32 $0x80, s22;
	v1 =	vld.idx.msk [tilespmem:v2+s4+$0x0], $0xffff  }
0x6c: {  	v2 =	vld.idx.msk [tilespmem:v4+s4+$0x0], $0xffff;
	[tilespmem:s22+$0x30] =	vst v6  }
0x6d: {  	s24 =	sadd.s32 $0x80, s24;
	v4 =	vld.idx.msk [tilespmem:v7+s4+$0x0], $0xffff;
	[tilespmem:s22+$0xFFFFFFD0] =	vst v8  }
0x6e: {  	[tilespmem:s22+$0xFFFFFFE0] =	vst v5  }
0x6f: {  	[tilespmem:s22+$0xFFFFFFF0] =	vst v3  }
0x70: {  	[tilespmem:s22+$0x0] =	vst v0  }
0x71: {  	[tilespmem:s22+$0x10] =	vst v1  }
0x72: {  	[tilespmem:s22+$0x20] =	vst v2  }
0x73: {  	s30 =	sadd.s32 s21, s7;
	[tilespmem:s22+$0xFFFFFFC0] =	vst v4  }
0x74: {  	[hbm4b:s30+s11] =	stream.strided.scatter [tilespmem:s15], [sflag:$0x3], $0x1000, s12, s11, $0x38;
	[tilespmem:$0x1E700] =	vst v63  }
0x75: {  	_ =	swait.ge [sflag:s16], $0x1000  }
0x76: {  	[sflag:s16] =	ssyncset.done $0x0  }
0x77: {  	s31 =	simm.s32 $0x1A770;
	[sflag:s16] =	ssyncadd.s32 $0xFFFFF000  }
0x78: {  	v0 =	vld [tilespmem:s31+$0x0]  }
0x79: {  	v1 =	vld [tilespmem:s31+$0xFFFFFFA0]  }
0x7a: {  	v2 =	vld [tilespmem:s31+$0xFFFFFFB0]  }
0x7b: {  	v3 =	vld [tilespmem:s31+$0xFFFFFFC0]  }
0x7c: {  	v5 =	vld [tilespmem:s31+$0xFFFFFFD0]  }
0x7d: {  	v6 =	vld [tilespmem:s31+$0xFFFFFFE0]  }
0x7e: {  	v7 =	vld [tilespmem:s31+$0xFFFFFFF0]  }
0x7f: {  	v8 =	vld [tilespmem:s31+$0xFFFFFF90]  }
0x80: {  	v9 =	vld.idx.msk [tilespmem:v0+s4+$0x0], $0xffff  }
0x81: {  	v10 =	vld.idx.msk [tilespmem:v1+s4+$0x0], $0xffff  }
0x82: {  	v4 =	vld.idx.msk [tilespmem:v2+s4+$0x0], $0xffff  }
0x83: {  	v3 =	vld.idx.msk [tilespmem:v3+s4+$0x0], $0xffff  }
0x84: {  	v0 =	vld.idx.msk [tilespmem:v5+s4+$0x0], $0xffff  }
0x85: {  	s22 =	simm.s32 $0x1C740;
	v1 =	vld.idx.msk [tilespmem:v6+s4+$0x0], $0xffff  }
0x86: {  	v2 =	vld.idx.msk [tilespmem:v7+s4+$0x0], $0xffff;
	[tilespmem:s22+$0x30] =	vst v9  }
0x87: {  	s23 =	sadd.s32 s21, s8;
	s24 =	simm.s32 $0x0;
	s25 =	simm.s32 $0x1A7F0;
	v5 =	vld.idx.msk [tilespmem:v8+s4+$0x0], $0xffff;
	[tilespmem:s22+$0xFFFFFFD0] =	vst v10  }
.LBB2_7:
0x88: {  	v6 =	vld [tilespmem:s25+$0x0];
	s24 =	sadd.s32 $0x8, s24;
	[tilespmem:s22+$0xFFFFFFE0] =	vst v4  }
0x89: {  	v4 =	vld [tilespmem:s25+$0xFFFFFFA0];
	p0 =	slt.u32 s24, $0xF8;
	[tilespmem:s22+$0xFFFFFFF0] =	vst v3  }
0x8a: {  	v3 =	vld [tilespmem:s25+$0xFFFFFFB0];
	[tilespmem:s22+$0x0] =	vst v0  }
0x8b: {  	v0 =	vld [tilespmem:s25+$0xFFFFFFC0];
	[tilespmem:s22+$0x10] =	vst v1  }
0x8c: {  	v1 =	vld [tilespmem:s25+$0xFFFFFFD0];
	[tilespmem:s22+$0x20] =	vst v2  }
0x8d: {  	v2 =	vld [tilespmem:s25+$0xFFFFFFE0];
	[tilespmem:s22+$0xFFFFFFC0] =	vst v5  }
0x8e: {  	v5 =	vld [tilespmem:s25+$0xFFFFFFF0]  }
0x8f: {  	v7 =	vld [tilespmem:s25+$0xFFFFFF90]  }
0x90: {  	v6 =	vld.idx.msk [tilespmem:v6+s4+$0x0], $0xffff  }
0x91: {  	v8 =	vld.idx.msk [tilespmem:v4+s4+$0x0], $0xffff  }
0x92: {  	v4 =	vld.idx.msk [tilespmem:v3+s4+$0x0], $0xffff  }
.Ltmp2:
0x93: {  	v3 =	vld.idx.msk [tilespmem:v0+s4+$0x0], $0xffff;
	(pc) =	sbr.rel @p0 .LBB2_7-.Ltmp2, $4  }
0x94: {  	v0 =	vld.idx.msk [tilespmem:v1+s4+$0x0], $0xffff  }
0x95: {  	s22 =	sadd.s32 $0x80, s22;
	v1 =	vld.idx.msk [tilespmem:v2+s4+$0x0], $0xffff  }
0x96: {  	v2 =	vld.idx.msk [tilespmem:v5+s4+$0x0], $0xffff;
	[tilespmem:s22+$0x30] =	vst v6  }
0x97: {  	s25 =	sadd.s32 $0x80, s25;
	v5 =	vld.idx.msk [tilespmem:v7+s4+$0x0], $0xffff;
	[tilespmem:s22+$0xFFFFFFD0] =	vst v8  }
0x98: {  	[tilespmem:s22+$0xFFFFFFE0] =	vst v4  }
0x99: {  	[tilespmem:s22+$0xFFFFFFF0] =	vst v3  }
0x9a: {  	[tilespmem:s22+$0x0] =	vst v0  }
0x9b: {  	[tilespmem:s22+$0x10] =	vst v1  }
0x9c: {  	[tilespmem:s22+$0x20] =	vst v2  }
0x9d: {  	[tilespmem:s22+$0xFFFFFFC0] =	vst v5  }
0x9e: {  	[hbm4b:s23+s11] =	stream.strided.scatter [tilespmem:s14], [sflag:$0x2], $0x1000, s12, s11, $0x38;
	[tilespmem:$0x1E700] =	vst v63  }
0x9f: {  	_ =	swait.ge [sflag:s17], $0x1000  }
0xa0: {  	[sflag:s17] =	ssyncset.done $0x0  }
0xa1: {  	s31 =	simm.s32 $0x1B770;
	[sflag:s17] =	ssyncadd.s32 $0xFFFFF000  }
0xa2: {  	v0 =	vld [tilespmem:s31+$0x0]  }
0xa3: {  	v1 =	vld [tilespmem:s31+$0xFFFFFFA0]  }
0xa4: {  	v2 =	vld [tilespmem:s31+$0xFFFFFFB0]  }
0xa5: {  	v3 =	vld [tilespmem:s31+$0xFFFFFFC0]  }
0xa6: {  	v5 =	vld [tilespmem:s31+$0xFFFFFFD0]  }
0xa7: {  	v6 =	vld [tilespmem:s31+$0xFFFFFFE0]  }
0xa8: {  	v7 =	vld [tilespmem:s31+$0xFFFFFFF0]  }
0xa9: {  	v8 =	vld [tilespmem:s31+$0xFFFFFF90]  }
0xaa: {  	v9 =	vld.idx.msk [tilespmem:v0+s4+$0x0], $0xffff  }
0xab: {  	v10 =	vld.idx.msk [tilespmem:v1+s4+$0x0], $0xffff  }
0xac: {  	v4 =	vld.idx.msk [tilespmem:v2+s4+$0x0], $0xffff  }
0xad: {  	v3 =	vld.idx.msk [tilespmem:v3+s4+$0x0], $0xffff  }
0xae: {  	v0 =	vld.idx.msk [tilespmem:v5+s4+$0x0], $0xffff  }
0xaf: {  	s22 =	simm.s32 $0x1D740;
	v1 =	vld.idx.msk [tilespmem:v6+s4+$0x0], $0xffff  }
0xb0: {  	v2 =	vld.idx.msk [tilespmem:v7+s4+$0x0], $0xffff;
	[tilespmem:s22+$0x30] =	vst v9  }
0xb1: {  	s21 =	sadd.s32 s21, s9;
	s24 =	simm.s32 $0x1B7F0;
	s23 =	simm.s32 $0x0;
	v5 =	vld.idx.msk [tilespmem:v8+s4+$0x0], $0xffff;
	[tilespmem:s22+$0xFFFFFFD0] =	vst v10  }
.LBB2_9:
0xb2: {  	v6 =	vld [tilespmem:s24+$0x0];
	s23 =	sadd.s32 $0x8, s23;
	[tilespmem:s22+$0xFFFFFFE0] =	vst v4  }
0xb3: {  	v4 =	vld [tilespmem:s24+$0xFFFFFFA0];
	p0 =	slt.u32 s23, $0xF8;
	[tilespmem:s22+$0xFFFFFFF0] =	vst v3  }
0xb4: {  	v3 =	vld [tilespmem:s24+$0xFFFFFFB0];
	[tilespmem:s22+$0x0] =	vst v0  }
0xb5: {  	v0 =	vld [tilespmem:s24+$0xFFFFFFC0];
	[tilespmem:s22+$0x10] =	vst v1  }
0xb6: {  	v1 =	vld [tilespmem:s24+$0xFFFFFFD0];
	[tilespmem:s22+$0x20] =	vst v2  }
0xb7: {  	v2 =	vld [tilespmem:s24+$0xFFFFFFE0];
	[tilespmem:s22+$0xFFFFFFC0] =	vst v5  }
0xb8: {  	v5 =	vld [tilespmem:s24+$0xFFFFFFF0]  }
0xb9: {  	v7 =	vld [tilespmem:s24+$0xFFFFFF90]  }
0xba: {  	v6 =	vld.idx.msk [tilespmem:v6+s4+$0x0], $0xffff  }
0xbb: {  	v8 =	vld.idx.msk [tilespmem:v4+s4+$0x0], $0xffff  }
0xbc: {  	v4 =	vld.idx.msk [tilespmem:v3+s4+$0x0], $0xffff  }
.Ltmp3:
0xbd: {  	v3 =	vld.idx.msk [tilespmem:v0+s4+$0x0], $0xffff;
	(pc) =	sbr.rel @p0 .LBB2_9-.Ltmp3, $4  }
0xbe: {  	v0 =	vld.idx.msk [tilespmem:v1+s4+$0x0], $0xffff  }
0xbf: {  	s22 =	sadd.s32 $0x80, s22;
	v1 =	vld.idx.msk [tilespmem:v2+s4+$0x0], $0xffff  }
0xc0: {  	v2 =	vld.idx.msk [tilespmem:v5+s4+$0x0], $0xffff;
	[tilespmem:s22+$0x30] =	vst v6  }
0xc1: {  	s24 =	sadd.s32 $0x80, s24;
	v5 =	vld.idx.msk [tilespmem:v7+s4+$0x0], $0xffff;
	[tilespmem:s22+$0xFFFFFFD0] =	vst v8  }
0xc2: {  	[tilespmem:s22+$0xFFFFFFE0] =	vst v4;
	s19 =	sadd.s32 $0x1, s19  }
0xc3: {  	[tilespmem:s22+$0xFFFFFFF0] =	vst v3;
	p0 =	sne.s32 s19, $0x1A  }
.Ltmp4:
0xc4: {  	[tilespmem:s22+$0x0] =	vst v0;
	(pc) =	sbr.rel @p0 .LBB2_2-.Ltmp4, $4  }
0xc5: {  	[tilespmem:s22+$0x10] =	vst v1  }
0xc6: {  	[tilespmem:s22+$0x20] =	vst v2  }
0xc7: {  	[tilespmem:s22+$0xFFFFFFC0] =	vst v5  }
0xc8: {  	[hbm4b:s21+s11] =	stream.strided.scatter [tilespmem:s15], [sflag:$0x3], $0x1000, s12, s11, $0x38;
	[tilespmem:$0x1E700] =	vst v63  }
0xc9: {  	s18 =	sadd.s32 $0x1, s18  }
0xca: {  	_ =	swait.ge [sflag:s16], $0x1000;
	p0 =	sne.s32 s18, s10  }
.Ltmp5:
0xcb: {  	[sflag:s16] =	ssyncset.done $0x0;
	(pc) =	sbr.rel @p0 .LBB2_1-.Ltmp5, $4  }
0xcc: {  	[sflag:s16] =	ssyncadd.s32 $0xFFFFF000  }
0xcd: {  	_ =	swait.ge [sflag:s17], $0x1000  }
0xce: {  	[sflag:s17] =	ssyncset.done $0x0  }
0xcf: {  	[sflag:s17] =	ssyncadd.s32 $0xFFFFF000  }
0xd0: {  	_ =	sfence.sel $0x180000  }
0xd1: {  	[bflag:$0x0] =	sbarrier.arrive $0xFFFF  }
0xd2: {  	p0 =	sne.s32 s3, $0x0;
	_ =	strace $0x90000047  }
0xd3: {  	s0 =	sadd.s32 @!p0 $0x100000, s0;
	[bflag:$0x2] =	sbarrier.arrive $0xFFFF  }
0xd4: {  	[sflag:s0] =	ssyncadd.tile.s32 @!p0 $0x1;
	_ =	shalt  }
.Lfunc_end2:
_tile_overlayer_lowered:
.L_overlay_start_2:
0xd5: {  	(tag) =	ssettag $0x2  }
0xd6: {  	s0 =	rddreg [dreg:$0x0];
	s2 =	stileid.u32  }
0xd7: {  	s1 =	rddreg [dreg:$0x1];
	p0 =	sne.s32 s2, $0x0  }
0xd8: {  	s3 =	rddreg [dreg:$0x2];
	[bflag:$0x3] =	sbarrier.arrive $0xFFFF;
	s2 =	simm.s32 @!p0 $0x1C04  }
0xd9: {  	[timem:s3], [sflag:s2] =	dma.local @!p0 [hbm:s0], s1  }
0xda: {  	s0 =	simm.s32 @!p0 $0x4  }
0xdb: {  	_ =	swait.ge @!p0 [sflag:s0], s1  }
0xdc: {  	s1 =	ssub.s32 @!p0 $0x0, s1;
	[sflag:s0] =	ssyncset.done @!p0 $0x0  }
0xdd: {  	[sflag:s0] =	ssyncadd.s32 @!p0 s1  }
0xde: {  	[bflag:$0x3] =	sbarrier.arrive $0xFFFF  }
0xdf: {  	_ =	shalt  }

</sc_bundles>
